<compile_context>
chip_gen: v7x
topology: tpu7x:2x2x1
jax: 0.10.2.dev20260603
libtpu: 0.0.44.dev20260713+nightly
codegen_flags: <defaults>
</compile_context>

<pallas_src>
import functools

import jax
import jax.numpy as jnp
from jax import lax
from jax.experimental import pallas as pl
from jax.experimental.pallas import tpu as pltpu
from jax.experimental.pallas import tpu_sc as plsc

N = 10000
E = 320000
D = 128

NC = 2
NS = 16
NW = NC * NS
SUPW = 232
EPW = E // NW
NSUP = 44
EPW_PAD = NSUP * SUPW

ROWS_PAD = 10112
OROWS = ROWS_PAD // NS

BLK = 1000


def _sc_agg_body(x_hbm, src_hbm, dst_hbm, zero_hbm, out_hbm,
                 src_v, dst_v, rows_v, agg_s, gsem):
    c = lax.axis_index("c")
    s = lax.axis_index("s")
    wid = c * NS + s

    pltpu.sync_copy(zero_hbm.at[pl.ds(s * OROWS, OROWS)],
                    agg_s.at[pl.ds(s * OROWS, OROWS)])

    pltpu.sync_copy(src_hbm.at[wid], src_v)
    pltpu.sync_copy(dst_hbm.at[wid], dst_v)

    plsc.subcore_barrier()

    def _edge_step(j, carry):
        sl = pl.ds(j * SUPW, SUPW)
        pltpu.async_copy(x_hbm.at[src_v.at[sl]], rows_v, gsem).wait()
        pltpu.sync_copy(rows_v, agg_s.at[dst_v.at[sl]], add=True)
        return carry
    lax.fori_loop(0, NSUP, _edge_step, 0)

    plsc.subcore_barrier()

    pltpu.sync_copy(agg_s.at[pl.ds(s * OROWS, OROWS)],
                    out_hbm.at[c, pl.ds(s * OROWS, OROWS)])


@functools.partial(
    pl.kernel,
    out_type=jax.ShapeDtypeStruct((NC, ROWS_PAD, D), jnp.float32),
    mesh=plsc.VectorSubcoreMesh(core_axis_name="c", subcore_axis_name="s"),
    scratch_types=[
        pltpu.VMEM((EPW_PAD,), jnp.int32),
        pltpu.VMEM((EPW_PAD,), jnp.int32),
        pltpu.VMEM((SUPW, D), jnp.float32),
        pltpu.VMEM_SHARED((ROWS_PAD, D), jnp.float32),
        pltpu.SemaphoreType.DMA,
    ],
)
def _sc_agg(x_hbm, src_hbm, dst_hbm, zero_hbm, out_hbm,
            src_v, dst_v, rows_v, agg_s, gsem):
    _sc_agg_body(x_hbm, src_hbm, dst_hbm, zero_hbm, out_hbm,
                 src_v, dst_v, rows_v, agg_s, gsem)


def _elu(h):
    return jnp.where(h > 0, h, jnp.exp(h) - 1.0)


def _mlp_body(x_ref, a_ref, w1_ref, b1_ref, w2_ref, b2_ref, o_ref):
    h = x_ref[...] + a_ref[0] + a_ref[1]
    h = jnp.dot(h, w1_ref[...], preferred_element_type=jnp.float32) + b1_ref[...]
    h = _elu(h)
    h = jnp.dot(h, w2_ref[...], preferred_element_type=jnp.float32) + b2_ref[...]
    o_ref[...] = _elu(h)


def _final_body(x_ref, a_ref, w1_ref, b1_ref, w2_ref, b2_ref,
                l1w_ref, l1b_ref, l2w_ref, l2b_ref, o_ref):
    h = x_ref[...] + a_ref[0] + a_ref[1]
    h = jnp.dot(h, w1_ref[...], preferred_element_type=jnp.float32) + b1_ref[...]
    h = _elu(h)
    h = jnp.dot(h, w2_ref[...], preferred_element_type=jnp.float32) + b2_ref[...]
    h = _elu(h)
    h = jnp.dot(h, l1w_ref[...], preferred_element_type=jnp.float32) + l1b_ref[...]
    h = _elu(h)
    o_ref[...] = jnp.dot(h, l2w_ref[...], preferred_element_type=jnp.float32) + l2b_ref[...]


def _row_specs(n_weights):
    x_spec = pl.BlockSpec((BLK, D), lambda i: (i, 0))
    a_spec = pl.BlockSpec((NC, BLK, D), lambda i: (0, i, 0))
    w_specs = [pl.BlockSpec(memory_space=pltpu.VMEM) for _ in range(n_weights)]
    return [x_spec, a_spec] + w_specs


def _mlp(x, agg, w1, b1, w2, b2):
    return pl.pallas_call(
        _mlp_body,
        grid=(N // BLK,),
        in_specs=_row_specs(4),
        out_specs=pl.BlockSpec((BLK, D), lambda i: (i, 0)),
        out_shape=jax.ShapeDtypeStruct((N, D), jnp.float32),
    )(x, agg, w1, b1, w2, b2)


def _final(x, agg, w1, b1, w2, b2, l1w, l1b, l2w, l2b):
    return pl.pallas_call(
        _final_body,
        grid=(N // BLK,),
        in_specs=_row_specs(8),
        out_specs=pl.BlockSpec((BLK, D), lambda i: (i, 0)),
        out_shape=jax.ShapeDtypeStruct((N, D), jnp.float32),
    )(x, agg, w1, b1, w2, b2, l1w, l1b, l2w, l2b)


def _fold_bn(w1, b1, bnw, bnb):
    scale = bnw / jnp.sqrt(jnp.float32(1.0 + 1e-5))
    return w1 * scale[None, :], b1 * scale + bnb


def kernel(x, edge_index, c1_w1, c1_b1, c1_bnw, c1_bnb, c1_w2, c1_b2,
           c2_w1, c2_b1, c2_bnw, c2_bnb, c2_w2, c2_b2,
           c3_w1, c3_b1, c3_bnw, c3_bnb, c3_w2, c3_b2,
           l1_w, l1_b, l2_w, l2_b):
    pad = EPW_PAD - EPW
    src = edge_index[0].reshape(NW, EPW)
    dst = edge_index[1].reshape(NW, EPW)
    src_p = jnp.pad(src, ((0, 0), (0, pad)))
    dst_p = jnp.pad(dst, ((0, 0), (0, pad)), constant_values=N)
    zero = jnp.zeros((ROWS_PAD, D), jnp.float32)

    w1a, b1a = _fold_bn(c1_w1, c1_b1, c1_bnw, c1_bnb)
    w1b, b1b = _fold_bn(c2_w1, c2_b1, c2_bnw, c2_bnb)
    w1c, b1c = _fold_bn(c3_w1, c3_b1, c3_bnw, c3_bnb)

    agg1 = _sc_agg(x, src_p, dst_p, zero)
    h1 = _mlp(x, agg1, w1a, b1a, c1_w2, c1_b2)
    agg2 = _sc_agg(h1, src_p, dst_p, zero)
    h2 = _mlp(h1, agg2, w1b, b1b, c2_w2, c2_b2)
    agg3 = _sc_agg(h2, src_p, dst_p, zero)
    return _final(h2, agg3, w1c, b1c, c3_w2, c3_b2, l1_w, l1_b, l2_w, l2_b)

# --- scband reference (transcript-rebuilt; emitter-appended) ---
"""Pipeline reference for scband-gin-2585570312520 (READ-ONLY COPY).

The authoritative reference and input builder live on the scoring server;
editing this copy changes nothing except your own understanding.
"""

import jax, jax.numpy as jnp
import numpy as np

N = 10000
E = 320000
D = 128
H = 128
O = 128


def setup_inputs(seed: int = 0) -> dict:
    key = jax.random.key(seed)
    ks = jax.random.split(key, 16)

    def lin(k, fi, fo):
        return jax.random.normal(k, (fi, fo), dtype=jnp.float32) * (1.0 / np.sqrt(fi))

    inp = {}
    inp["x"] = jax.random.normal(ks[0], (N, D), dtype=jnp.float32)
    inp["edge_index"] = jax.random.randint(ks[1], (2, E), 0, N, dtype=jnp.int32)
    i = 2
    for c, fi in zip(["c1", "c2", "c3"], [D, H, H]):
        inp[c + "_w1"] = lin(ks[i], fi, H); i += 1
        inp[c + "_b1"] = jnp.zeros((H,), jnp.float32)
        inp[c + "_bnw"] = jnp.ones((H,), jnp.float32)
        inp[c + "_bnb"] = jnp.zeros((H,), jnp.float32)
        inp[c + "_w2"] = lin(ks[i], H, H); i += 1
        inp[c + "_b2"] = jnp.zeros((H,), jnp.float32)
    inp["l1_w"] = lin(ks[i], H, H); i += 1
    inp["l1_b"] = jnp.zeros((H,), jnp.float32)
    inp["l2_w"] = lin(ks[i], H, O); i += 1
    inp["l2_b"] = jnp.zeros((O,), jnp.float32)
    return inp


def _gin_layer(x, src, dst, w1, b1, bnw, bnb, w2, b2):
    # GINConv with eps=0: nn((1+eps)*x + sum_{j in N(i)} x_j)
    agg = jax.ops.segment_sum(x[src], dst, num_segments=N)
    h = x + agg
    # Linear -> BatchNorm1d (eval mode: running_mean=0, running_var=1) -> ELU -> Linear -> ELU
    h = h @ w1 + b1
    h = h / jnp.sqrt(1.0 + 1e-5) * bnw + bnb
    h = jax.nn.elu(h)
    h = h @ w2 + b2
    h = jax.nn.elu(h)
    return h


def reference(x, edge_index, c1_w1, c1_b1, c1_bnw, c1_bnb, c1_w2, c1_b2,
              c2_w1, c2_b1, c2_bnw, c2_bnb, c2_w2, c2_b2,
              c3_w1, c3_b1, c3_bnw, c3_bnb, c3_w2, c3_b2,
              l1_w, l1_b, l2_w, l2_b):
    src = edge_index[0]
    dst = edge_index[1]
    h = _gin_layer(x, src, dst, c1_w1, c1_b1, c1_bnw, c1_bnb, c1_w2, c1_b2)
    h = _gin_layer(h, src, dst, c2_w1, c2_b1, c2_bnw, c2_bnb, c2_w2, c2_b2)
    h = _gin_layer(h, src, dst, c3_w1, c3_b1, c3_bnw, c3_bnb, c3_w2, c3_b2)
    h = h @ l1_w + l1_b
    h = jax.nn.elu(h)
    # dropout p=0.5 is identity in eval mode
    h = h @ l2_w + l2_b
    return h

if __name__ == "__main__":
    import jax
    _d = setup_inputs()
    print(jax.jit(kernel)(*tuple(_d.values())))

</pallas_src>

<mosaic_0001>
#map = affine_map<(d0, d1) -> (0, 0)>
#map1 = affine_map<(d0, d1) -> (0, 0, 0)>
module attributes {stable_mosaic.version = 14 : i64} {
  func.func @_sc_agg(%arg0: i32, %arg1: i32, %arg2: memref<10000x128xf32, #tpu.memory_space<hbm>>, %arg3: memref<32x10208xi32, #tpu.memory_space<hbm>>, %arg4: memref<32x10208xi32, #tpu.memory_space<hbm>>, %arg5: memref<10112x128xf32, #tpu.memory_space<hbm>>, %arg6: memref<2x10112x128xf32, #tpu.memory_space<hbm>>, %arg7: memref<10208xi32, #tpu.memory_space<vmem>>, %arg8: memref<10208xi32, #tpu.memory_space<vmem>>, %arg9: memref<232x128xf32, #tpu.memory_space<vmem>>, %arg10: memref<10112x128xf32, #tpu.memory_space<vmem_shared>>, %arg11: memref<!tpu.dma_semaphore, #tpu.memory_space<semaphore_mem>>) attributes {dimension_semantics = [#tpu.dimension_semantics<core_parallel>, #tpu.dimension_semantics<subcore_parallel>], iteration_bounds = array<i64: 2, 16>, scalar_prefetch = 0 : i64, scratch_operands = 5 : i64, tpu.core_type = #tpu.core_type<sc_vector_subcore>, window_params = [{transform_indices = #map}, {transform_indices = #map}, {transform_indices = #map}, {transform_indices = #map}, {transform_indices = #map1}]} {
    %mul3A = arith.constant 16 : i32
    %mul3A_0 = arith.muli %arg0, %mul3A : i32
    %add3A = arith.addi %mul3A_0, %arg1 : i32
    %mul3A_1 = arith.constant 632 : i32
    %mul3A_2 = arith.muli %arg1, %mul3A_1 : i32
    %mul3A_3 = arith.constant 632 : i32
    %mul3A_4 = arith.muli %arg1, %mul3A_3 : i32
    "tpu.region"() ({
      %run_scoped3A = tpu.sem_alloc : memref<!tpu.dma_semaphore, #tpu.memory_space<semaphore_mem>>
      %dma_start3A = arith.constant 0 : i32
      %dma_start3A_15 = tpu.memref_slice %arg10[%mul3A_4, %dma_start3A] : memref<10112x128xf32, #tpu.memory_space<vmem_shared>> -> memref<632x128xf32, #tpu.memory_space<vmem_shared>>
      %dma_start3A_16 = arith.constant 0 : i32
      %dma_start3A_17 = tpu.memref_slice %arg5[%mul3A_2, %dma_start3A_16] : memref<10112x128xf32, #tpu.memory_space<hbm>> -> memref<632x128xf32, #tpu.memory_space<hbm>>
      tpu.enqueue_dma source(%dma_start3A_17 : memref<632x128xf32, #tpu.memory_space<hbm>>) target(%dma_start3A_15 : memref<632x128xf32, #tpu.memory_space<vmem_shared>>) target_semaphore(%run_scoped3A : memref<!tpu.dma_semaphore, #tpu.memory_space<semaphore_mem>>)
      %dma_wait3A = arith.constant 0 : i32
      %dma_wait3A_18 = tpu.memref_slice %arg10[%mul3A_4, %dma_wait3A] : memref<10112x128xf32, #tpu.memory_space<vmem_shared>> -> memref<632x128xf32, #tpu.memory_space<vmem_shared>>
      %dma_wait3A_19 = arith.constant 0 : i32
      %dma_wait3A_20 = tpu.memref_slice %arg5[%mul3A_2, %dma_wait3A_19] : memref<10112x128xf32, #tpu.memory_space<hbm>> -> memref<632x128xf32, #tpu.memory_space<hbm>>
      tpu.wait_dma2 semaphore(%run_scoped3A : memref<!tpu.dma_semaphore, #tpu.memory_space<semaphore_mem>>) src(%dma_wait3A_20 : memref<632x128xf32, #tpu.memory_space<hbm>>) dst(%dma_wait3A_18 : memref<632x128xf32, #tpu.memory_space<vmem_shared>>)
      tpu.yield
    }) : () -> ()
    "tpu.region"() ({
      %run_scoped3A = tpu.sem_alloc : memref<!tpu.dma_semaphore, #tpu.memory_space<semaphore_mem>>
      %dma_start3A = arith.constant 0 : i32
      %dma_start3A_15 = tpu.memref_slice %arg3[%add3A, %dma_start3A] : memref<32x10208xi32, #tpu.memory_space<hbm>> -> memref<1x10208xi32, #tpu.memory_space<hbm>>
      %dma_start3A_16 = tpu.memref_squeeze %dma_start3A_15 : memref<1x10208xi32, #tpu.memory_space<hbm>> -> memref<10208xi32, #tpu.memory_space<hbm>>
      %dma_start3A_17 = arith.constant 0 : i32
      %dma_start3A_18 = tpu.memref_slice %arg3[%add3A, %dma_start3A_17] : memref<32x10208xi32, #tpu.memory_space<hbm>> -> memref<1x10208xi32, #tpu.memory_space<hbm>>
      %dma_start3A_19 = tpu.memref_squeeze %dma_start3A_18 : memref<1x10208xi32, #tpu.memory_space<hbm>> -> memref<10208xi32, #tpu.memory_space<hbm>>
      tpu.enqueue_dma source(%dma_start3A_19 : memref<10208xi32, #tpu.memory_space<hbm>>) target(%arg7 : memref<10208xi32, #tpu.memory_space<vmem>>) target_semaphore(%run_scoped3A : memref<!tpu.dma_semaphore, #tpu.memory_space<semaphore_mem>>)
      %dma_wait3A = arith.constant 0 : i32
      %dma_wait3A_20 = tpu.memref_slice %arg3[%add3A, %dma_wait3A] : memref<32x10208xi32, #tpu.memory_space<hbm>> -> memref<1x10208xi32, #tpu.memory_space<hbm>>
      %dma_wait3A_21 = tpu.memref_squeeze %dma_wait3A_20 : memref<1x10208xi32, #tpu.memory_space<hbm>> -> memref<10208xi32, #tpu.memory_space<hbm>>
      %dma_wait3A_22 = arith.constant 0 : i32
      %dma_wait3A_23 = tpu.memref_slice %arg3[%add3A, %dma_wait3A_22] : memref<32x10208xi32, #tpu.memory_space<hbm>> -> memref<1x10208xi32, #tpu.memory_space<hbm>>
      %dma_wait3A_24 = tpu.memref_squeeze %dma_wait3A_23 : memref<1x10208xi32, #tpu.memory_space<hbm>> -> memref<10208xi32, #tpu.memory_space<hbm>>
      tpu.wait_dma2 semaphore(%run_scoped3A : memref<!tpu.dma_semaphore, #tpu.memory_space<semaphore_mem>>) src(%dma_wait3A_24 : memref<10208xi32, #tpu.memory_space<hbm>>) dst(%arg7 : memref<10208xi32, #tpu.memory_space<vmem>>)
      tpu.yield
    }) : () -> ()
    "tpu.region"() ({
      %run_scoped3A = tpu.sem_alloc : memref<!tpu.dma_semaphore, #tpu.memory_space<semaphore_mem>>
      %dma_start3A = arith.constant 0 : i32
      %dma_start3A_15 = tpu.memref_slice %arg4[%add3A, %dma_start3A] : memref<32x10208xi32, #tpu.memory_space<hbm>> -> memref<1x10208xi32, #tpu.memory_space<hbm>>
      %dma_start3A_16 = tpu.memref_squeeze %dma_start3A_15 : memref<1x10208xi32, #tpu.memory_space<hbm>> -> memref<10208xi32, #tpu.memory_space<hbm>>
      %dma_start3A_17 = arith.constant 0 : i32
      %dma_start3A_18 = tpu.memref_slice %arg4[%add3A, %dma_start3A_17] : memref<32x10208xi32, #tpu.memory_space<hbm>> -> memref<1x10208xi32, #tpu.memory_space<hbm>>
      %dma_start3A_19 = tpu.memref_squeeze %dma_start3A_18 : memref<1x10208xi32, #tpu.memory_space<hbm>> -> memref<10208xi32, #tpu.memory_space<hbm>>
      tpu.enqueue_dma source(%dma_start3A_19 : memref<10208xi32, #tpu.memory_space<hbm>>) target(%arg8 : memref<10208xi32, #tpu.memory_space<vmem>>) target_semaphore(%run_scoped3A : memref<!tpu.dma_semaphore, #tpu.memory_space<semaphore_mem>>)
      %dma_wait3A = arith.constant 0 : i32
      %dma_wait3A_20 = tpu.memref_slice %arg4[%add3A, %dma_wait3A] : memref<32x10208xi32, #tpu.memory_space<hbm>> -> memref<1x10208xi32, #tpu.memory_space<hbm>>
      %dma_wait3A_21 = tpu.memref_squeeze %dma_wait3A_20 : memref<1x10208xi32, #tpu.memory_space<hbm>> -> memref<10208xi32, #tpu.memory_space<hbm>>
      %dma_wait3A_22 = arith.constant 0 : i32
      %dma_wait3A_23 = tpu.memref_slice %arg4[%add3A, %dma_wait3A_22] : memref<32x10208xi32, #tpu.memory_space<hbm>> -> memref<1x10208xi32, #tpu.memory_space<hbm>>
      %dma_wait3A_24 = tpu.memref_squeeze %dma_wait3A_23 : memref<1x10208xi32, #tpu.memory_space<hbm>> -> memref<10208xi32, #tpu.memory_space<hbm>>
      tpu.wait_dma2 semaphore(%run_scoped3A : memref<!tpu.dma_semaphore, #tpu.memory_space<semaphore_mem>>) src(%dma_wait3A_24 : memref<10208xi32, #tpu.memory_space<hbm>>) dst(%arg8 : memref<10208xi32, #tpu.memory_space<vmem>>)
      tpu.yield
    }) : () -> ()
    %barrier3A = arith.constant 0 : index
    tpu.barrier barrier_id(%barrier3A)
    %scan3A = arith.constant 0 : i32
    %scan3A_5 = arith.constant 0 : i32
    %scan3A_6 = arith.constant 44 : i32
    %scan3A_7 = arith.addi %scan3A_5, %scan3A_6 : i32
    %scan3A_8 = arith.constant 1 : i32
    scf.for %scan3A_15 = %scan3A_5 to %scan3A_7 step %scan3A_8  : i32 {
      %mul3A_16 = arith.constant 232 : i32
      %mul3A_17 = arith.muli %scan3A_15, %mul3A_16 : i32
      %dma_start3A = tpu.memref_slice %arg7[%mul3A_17] : memref<10208xi32, #tpu.memory_space<vmem>> -> memref<232xi32, #tpu.memory_space<vmem>>
      %dma_start3A_18 = arith.constant 0 : i32
      %dma_start3A_19 = arith.constant 0 : i32
      %dma_start3A_20 = tpu.memref_slice %arg2[%dma_start3A_18, %dma_start3A_19] : memref<10000x128xf32, #tpu.memory_space<hbm>> -> memref<10000x128xf32, #tpu.memory_space<hbm>>
      tpu.enqueue_indirect_dma source(%dma_start3A_20 : memref<10000x128xf32, #tpu.memory_space<hbm>>) target(%arg9 : memref<232x128xf32, #tpu.memory_space<vmem>>) offsets(%dma_start3A : memref<232xi32, #tpu.memory_space<vmem>>) semaphore(%arg11 : memref<!tpu.dma_semaphore, #tpu.memory_space<semaphore_mem>>)
      %dma_wait3A = tpu.memref_slice %arg7[%mul3A_17] : memref<10208xi32, #tpu.memory_space<vmem>> -> memref<232xi32, #tpu.memory_space<vmem>>
      %dma_wait3A_21 = arith.constant 0 : i32
      %dma_wait3A_22 = arith.constant 0 : i32
      %dma_wait3A_23 = tpu.memref_slice %arg2[%dma_wait3A_21, %dma_wait3A_22] : memref<10000x128xf32, #tpu.memory_space<hbm>> -> memref<10000x128xf32, #tpu.memory_space<hbm>>
      tpu.wait_indirect_dma semaphore(%arg11 : memref<!tpu.dma_semaphore, #tpu.memory_space<semaphore_mem>>) src(%dma_wait3A_23 : memref<10000x128xf32, #tpu.memory_space<hbm>>) dst(%arg9 : memref<232x128xf32, #tpu.memory_space<vmem>>)
      "tpu.region"() ({
        %run_scoped3A = tpu.sem_alloc : memref<!tpu.dma_semaphore, #tpu.memory_space<semaphore_mem>>
        %dma_start3A_24 = tpu.memref_slice %arg8[%mul3A_17] : memref<10208xi32, #tpu.memory_space<vmem>> -> memref<232xi32, #tpu.memory_space<vmem>>
        %dma_start3A_25 = arith.constant 0 : i32
        %dma_start3A_26 = arith.constant 0 : i32
        %dma_start3A_27 = tpu.memref_slice %arg10[%dma_start3A_25, %dma_start3A_26] : memref<10112x128xf32, #tpu.memory_space<vmem_shared>> -> memref<10112x128xf32, #tpu.memory_space<vmem_shared>>
        tpu.enqueue_indirect_dma source(%arg9 : memref<232x128xf32, #tpu.memory_space<vmem>>) target(%dma_start3A_27 : memref<10112x128xf32, #tpu.memory_space<vmem_shared>>) offsets(%dma_start3A_24 : memref<232xi32, #tpu.memory_space<vmem>>) semaphore(%run_scoped3A : memref<!tpu.dma_semaphore, #tpu.memory_space<semaphore_mem>>) {add = true}
        %dma_wait3A_28 = tpu.memref_slice %arg8[%mul3A_17] : memref<10208xi32, #tpu.memory_space<vmem>> -> memref<232xi32, #tpu.memory_space<vmem>>
        %dma_wait3A_29 = arith.constant 0 : i32
        %dma_wait3A_30 = arith.constant 0 : i32
        %dma_wait3A_31 = tpu.memref_slice %arg10[%dma_wait3A_29, %dma_wait3A_30] : memref<10112x128xf32, #tpu.memory_space<vmem_shared>> -> memref<10112x128xf32, #tpu.memory_space<vmem_shared>>
        tpu.wait_indirect_dma semaphore(%run_scoped3A : memref<!tpu.dma_semaphore, #tpu.memory_space<semaphore_mem>>) src(%arg9 : memref<232x128xf32, #tpu.memory_space<vmem>>) dst(%dma_wait3A_31 : memref<10112x128xf32, #tpu.memory_space<vmem_shared>>)
        tpu.yield
      }) : () -> ()
    }
    %scan3A_9 = arith.constant 44 : i32
    %barrier3A_10 = arith.constant 0 : index
    tpu.barrier barrier_id(%barrier3A_10)
    %mul3A_11 = arith.constant 632 : i32
    %mul3A_12 = arith.muli %arg1, %mul3A_11 : i32
    %mul3A_13 = arith.constant 632 : i32
    %mul3A_14 = arith.muli %arg1, %mul3A_13 : i32
    "tpu.region"() ({
      %run_scoped3A = tpu.sem_alloc : memref<!tpu.dma_semaphore, #tpu.memory_space<semaphore_mem>>
      %dma_start3A = arith.constant 0 : i32
      %dma_start3A_15 = tpu.memref_slice %arg6[%arg0, %mul3A_14, %dma_start3A] : memref<2x10112x128xf32, #tpu.memory_space<hbm>> -> memref<1x632x128xf32, #tpu.memory_space<hbm>>
      %dma_start3A_16 = tpu.memref_squeeze %dma_start3A_15 : memref<1x632x128xf32, #tpu.memory_space<hbm>> -> memref<632x128xf32, #tpu.memory_space<hbm>>
      %dma_start3A_17 = arith.constant 0 : i32
      %dma_start3A_18 = tpu.memref_slice %arg10[%mul3A_12, %dma_start3A_17] : memref<10112x128xf32, #tpu.memory_space<vmem_shared>> -> memref<632x128xf32, #tpu.memory_space<vmem_shared>>
      tpu.enqueue_dma source(%dma_start3A_18 : memref<632x128xf32, #tpu.memory_space<vmem_shared>>) target(%dma_start3A_16 : memref<632x128xf32, #tpu.memory_space<hbm>>) target_semaphore(%run_scoped3A : memref<!tpu.dma_semaphore, #tpu.memory_space<semaphore_mem>>)
      %dma_wait3A = arith.constant 0 : i32
      %dma_wait3A_19 = tpu.memref_slice %arg6[%arg0, %mul3A_14, %dma_wait3A] : memref<2x10112x128xf32, #tpu.memory_space<hbm>> -> memref<1x632x128xf32, #tpu.memory_space<hbm>>
      %dma_wait3A_20 = tpu.memref_squeeze %dma_wait3A_19 : memref<1x632x128xf32, #tpu.memory_space<hbm>> -> memref<632x128xf32, #tpu.memory_space<hbm>>
      %dma_wait3A_21 = arith.constant 0 : i32
      %dma_wait3A_22 = tpu.memref_slice %arg10[%mul3A_12, %dma_wait3A_21] : memref<10112x128xf32, #tpu.memory_space<vmem_shared>> -> memref<632x128xf32, #tpu.memory_space<vmem_shared>>
      tpu.wait_dma2 semaphore(%run_scoped3A : memref<!tpu.dma_semaphore, #tpu.memory_space<semaphore_mem>>) src(%dma_wait3A_22 : memref<632x128xf32, #tpu.memory_space<vmem_shared>>) dst(%dma_wait3A_20 : memref<632x128xf32, #tpu.memory_space<hbm>>)
      tpu.yield
    }) : () -> ()
    return
  }
}

#map = affine_map<(d0, d1) -> (0, 0)>
#map1 = affine_map<(d0, d1) -> (0, 0, 0)>
module attributes {stable_mosaic.version = 14 : i64} {
  func.func @_sc_agg(%arg0: i32, %arg1: i32, %arg2: memref<10000x128xf32, #tpu.memory_space<hbm>>, %arg3: memref<32x10208xi32, #tpu.memory_space<hbm>>, %arg4: memref<32x10208xi32, #tpu.memory_space<hbm>>, %arg5: memref<10112x128xf32, #tpu.memory_space<hbm>>, %arg6: memref<2x10112x128xf32, #tpu.memory_space<hbm>>, %arg7: memref<10208xi32, #tpu.memory_space<vmem>>, %arg8: memref<10208xi32, #tpu.memory_space<vmem>>, %arg9: memref<232x128xf32, #tpu.memory_space<vmem>>, %arg10: memref<10112x128xf32, #tpu.memory_space<vmem_shared>>, %arg11: memref<!tpu.dma_semaphore, #tpu.memory_space<semaphore_mem>>) attributes {dimension_semantics = [#tpu.dimension_semantics<core_parallel>, #tpu.dimension_semantics<subcore_parallel>], iteration_bounds = array<i64: 2, 16>, scalar_prefetch = 0 : i64, scratch_operands = 5 : i64, tpu.core_type = #tpu.core_type<sc_vector_subcore>, window_params = [{transform_indices = #map}, {transform_indices = #map}, {transform_indices = #map}, {transform_indices = #map}, {transform_indices = #map1}]} {
    %mul3A = arith.constant 16 : i32
    %mul3A_0 = arith.muli %arg0, %mul3A : i32
    %add3A = arith.addi %mul3A_0, %arg1 : i32
    %mul3A_1 = arith.constant 632 : i32
    %mul3A_2 = arith.muli %arg1, %mul3A_1 : i32
    %mul3A_3 = arith.constant 632 : i32
    %mul3A_4 = arith.muli %arg1, %mul3A_3 : i32
    "tpu.region"() ({
      %run_scoped3A = tpu.sem_alloc : memref<!tpu.dma_semaphore, #tpu.memory_space<semaphore_mem>>
      %dma_start3A = arith.constant 0 : i32
      %dma_start3A_15 = tpu.memref_slice %arg10[%mul3A_4, %dma_start3A] : memref<10112x128xf32, #tpu.memory_space<vmem_shared>> -> memref<632x128xf32, #tpu.memory_space<vmem_shared>>
      %dma_start3A_16 = arith.constant 0 : i32
      %dma_start3A_17 = tpu.memref_slice %arg5[%mul3A_2, %dma_start3A_16] : memref<10112x128xf32, #tpu.memory_space<hbm>> -> memref<632x128xf32, #tpu.memory_space<hbm>>
      tpu.enqueue_dma source(%dma_start3A_17 : memref<632x128xf32, #tpu.memory_space<hbm>>) target(%dma_start3A_15 : memref<632x128xf32, #tpu.memory_space<vmem_shared>>) target_semaphore(%run_scoped3A : memref<!tpu.dma_semaphore, #tpu.memory_space<semaphore_mem>>)
      %dma_wait3A = arith.constant 0 : i32
      %dma_wait3A_18 = tpu.memref_slice %arg10[%mul3A_4, %dma_wait3A] : memref<10112x128xf32, #tpu.memory_space<vmem_shared>> -> memref<632x128xf32, #tpu.memory_space<vmem_shared>>
      %dma_wait3A_19 = arith.constant 0 : i32
      %dma_wait3A_20 = tpu.memref_slice %arg5[%mul3A_2, %dma_wait3A_19] : memref<10112x128xf32, #tpu.memory_space<hbm>> -> memref<632x128xf32, #tpu.memory_space<hbm>>
      tpu.wait_dma2 semaphore(%run_scoped3A : memref<!tpu.dma_semaphore, #tpu.memory_space<semaphore_mem>>) src(%dma_wait3A_20 : memref<632x128xf32, #tpu.memory_space<hbm>>) dst(%dma_wait3A_18 : memref<632x128xf32, #tpu.memory_space<vmem_shared>>)
      tpu.yield
    }) : () -> ()
    "tpu.region"() ({
      %run_scoped3A = tpu.sem_alloc : memref<!tpu.dma_semaphore, #tpu.memory_space<semaphore_mem>>
      %dma_start3A = arith.constant 0 : i32
      %dma_start3A_15 = tpu.memref_slice %arg3[%add3A, %dma_start3A] : memref<32x10208xi32, #tpu.memory_space<hbm>> -> memref<1x10208xi32, #tpu.memory_space<hbm>>
      %dma_start3A_16 = tpu.memref_squeeze %dma_start3A_15 : memref<1x10208xi32, #tpu.memory_space<hbm>> -> memref<10208xi32, #tpu.memory_space<hbm>>
      %dma_start3A_17 = arith.constant 0 : i32
      %dma_start3A_18 = tpu.memref_slice %arg3[%add3A, %dma_start3A_17] : memref<32x10208xi32, #tpu.memory_space<hbm>> -> memref<1x10208xi32, #tpu.memory_space<hbm>>
      %dma_start3A_19 = tpu.memref_squeeze %dma_start3A_18 : memref<1x10208xi32, #tpu.memory_space<hbm>> -> memref<10208xi32, #tpu.memory_space<hbm>>
      tpu.enqueue_dma source(%dma_start3A_19 : memref<10208xi32, #tpu.memory_space<hbm>>) target(%arg7 : memref<10208xi32, #tpu.memory_space<vmem>>) target_semaphore(%run_scoped3A : memref<!tpu.dma_semaphore, #tpu.memory_space<semaphore_mem>>)
      %dma_wait3A = arith.constant 0 : i32
      %dma_wait3A_20 = tpu.memref_slice %arg3[%add3A, %dma_wait3A] : memref<32x10208xi32, #tpu.memory_space<hbm>> -> memref<1x10208xi32, #tpu.memory_space<hbm>>
      %dma_wait3A_21 = tpu.memref_squeeze %dma_wait3A_20 : memref<1x10208xi32, #tpu.memory_space<hbm>> -> memref<10208xi32, #tpu.memory_space<hbm>>
      %dma_wait3A_22 = arith.constant 0 : i32
      %dma_wait3A_23 = tpu.memref_slice %arg3[%add3A, %dma_wait3A_22] : memref<32x10208xi32, #tpu.memory_space<hbm>> -> memref<1x10208xi32, #tpu.memory_space<hbm>>
      %dma_wait3A_24 = tpu.memref_squeeze %dma_wait3A_23 : memref<1x10208xi32, #tpu.memory_space<hbm>> -> memref<10208xi32, #tpu.memory_space<hbm>>
      tpu.wait_dma2 semaphore(%run_scoped3A : memref<!tpu.dma_semaphore, #tpu.memory_space<semaphore_mem>>) src(%dma_wait3A_24 : memref<10208xi32, #tpu.memory_space<hbm>>) dst(%arg7 : memref<10208xi32, #tpu.memory_space<vmem>>)
      tpu.yield
    }) : () -> ()
    "tpu.region"() ({
      %run_scoped3A = tpu.sem_alloc : memref<!tpu.dma_semaphore, #tpu.memory_space<semaphore_mem>>
      %dma_start3A = arith.constant 0 : i32
      %dma_start3A_15 = tpu.memref_slice %arg4[%add3A, %dma_start3A] : memref<32x10208xi32, #tpu.memory_space<hbm>> -> memref<1x10208xi32, #tpu.memory_space<hbm>>
      %dma_start3A_16 = tpu.memref_squeeze %dma_start3A_15 : memref<1x10208xi32, #tpu.memory_space<hbm>> -> memref<10208xi32, #tpu.memory_space<hbm>>
      %dma_start3A_17 = arith.constant 0 : i32
      %dma_start3A_18 = tpu.memref_slice %arg4[%add3A, %dma_start3A_17] : memref<32x10208xi32, #tpu.memory_space<hbm>> -> memref<1x10208xi32, #tpu.memory_space<hbm>>
      %dma_start3A_19 = tpu.memref_squeeze %dma_start3A_18 : memref<1x10208xi32, #tpu.memory_space<hbm>> -> memref<10208xi32, #tpu.memory_space<hbm>>
      tpu.enqueue_dma source(%dma_start3A_19 : memref<10208xi32, #tpu.memory_space<hbm>>) target(%arg8 : memref<10208xi32, #tpu.memory_space<vmem>>) target_semaphore(%run_scoped3A : memref<!tpu.dma_semaphore, #tpu.memory_space<semaphore_mem>>)
      %dma_wait3A = arith.constant 0 : i32
      %dma_wait3A_20 = tpu.memref_slice %arg4[%add3A, %dma_wait3A] : memref<32x10208xi32, #tpu.memory_space<hbm>> -> memref<1x10208xi32, #tpu.memory_space<hbm>>
      %dma_wait3A_21 = tpu.memref_squeeze %dma_wait3A_20 : memref<1x10208xi32, #tpu.memory_space<hbm>> -> memref<10208xi32, #tpu.memory_space<hbm>>
      %dma_wait3A_22 = arith.constant 0 : i32
      %dma_wait3A_23 = tpu.memref_slice %arg4[%add3A, %dma_wait3A_22] : memref<32x10208xi32, #tpu.memory_space<hbm>> -> memref<1x10208xi32, #tpu.memory_space<hbm>>
      %dma_wait3A_24 = tpu.memref_squeeze %dma_wait3A_23 : memref<1x10208xi32, #tpu.memory_space<hbm>> -> memref<10208xi32, #tpu.memory_space<hbm>>
      tpu.wait_dma2 semaphore(%run_scoped3A : memref<!tpu.dma_semaphore, #tpu.memory_space<semaphore_mem>>) src(%dma_wait3A_24 : memref<10208xi32, #tpu.memory_space<hbm>>) dst(%arg8 : memref<10208xi32, #tpu.memory_space<vmem>>)
      tpu.yield
    }) : () -> ()
    %barrier3A = arith.constant 0 : index
    tpu.barrier barrier_id(%barrier3A)
    %scan3A = arith.constant 0 : i32
    %scan3A_5 = arith.constant 0 : i32
    %scan3A_6 = arith.constant 44 : i32
    %scan3A_7 = arith.addi %scan3A_5, %scan3A_6 : i32
    %scan3A_8 = arith.constant 1 : i32
    scf.for %scan3A_15 = %scan3A_5 to %scan3A_7 step %scan3A_8  : i32 {
      %mul3A_16 = arith.constant 232 : i32
      %mul3A_17 = arith.muli %scan3A_15, %mul3A_16 : i32
      %dma_start3A = tpu.memref_slice %arg7[%mul3A_17] : memref<10208xi32, #tpu.memory_space<vmem>> -> memref<232xi32, #tpu.memory_space<vmem>>
      %dma_start3A_18 = arith.constant 0 : i32
      %dma_start3A_19 = arith.constant 0 : i32
      %dma_start3A_20 = tpu.memref_slice %arg2[%dma_start3A_18, %dma_start3A_19] : memref<10000x128xf32, #tpu.memory_space<hbm>> -> memref<10000x128xf32, #tpu.memory_space<hbm>>
      tpu.enqueue_indirect_dma source(%dma_start3A_20 : memref<10000x128xf32, #tpu.memory_space<hbm>>) target(%arg9 : memref<232x128xf32, #tpu.memory_space<vmem>>) offsets(%dma_start3A : memref<232xi32, #tpu.memory_space<vmem>>) semaphore(%arg11 : memref<!tpu.dma_semaphore, #tpu.memory_space<semaphore_mem>>)
      %dma_wait3A = tpu.memref_slice %arg7[%mul3A_17] : memref<10208xi32, #tpu.memory_space<vmem>> -> memref<232xi32, #tpu.memory_space<vmem>>
      %dma_wait3A_21 = arith.constant 0 : i32
      %dma_wait3A_22 = arith.constant 0 : i32
      %dma_wait3A_23 = tpu.memref_slice %arg2[%dma_wait3A_21, %dma_wait3A_22] : memref<10000x128xf32, #tpu.memory_space<hbm>> -> memref<10000x128xf32, #tpu.memory_space<hbm>>
      tpu.wait_indirect_dma semaphore(%arg11 : memref<!tpu.dma_semaphore, #tpu.memory_space<semaphore_mem>>) src(%dma_wait3A_23 : memref<10000x128xf32, #tpu.memory_space<hbm>>) dst(%arg9 : memref<232x128xf32, #tpu.memory_space<vmem>>)
      "tpu.region"() ({
        %run_scoped3A = tpu.sem_alloc : memref<!tpu.dma_semaphore, #tpu.memory_space<semaphore_mem>>
        %dma_start3A_24 = tpu.memref_slice %arg8[%mul3A_17] : memref<10208xi32, #tpu.memory_space<vmem>> -> memref<232xi32, #tpu.memory_space<vmem>>
        %dma_start3A_25 = arith.constant 0 : i32
        %dma_start3A_26 = arith.constant 0 : i32
        %dma_start3A_27 = tpu.memref_slice %arg10[%dma_start3A_25, %dma_start3A_26] : memref<10112x128xf32, #tpu.memory_space<vmem_shared>> -> memref<10112x128xf32, #tpu.memory_space<vmem_shared>>
        tpu.enqueue_indirect_dma source(%arg9 : memref<232x128xf32, #tpu.memory_space<vmem>>) target(%dma_start3A_27 : memref<10112x128xf32, #tpu.memory_space<vmem_shared>>) offsets(%dma_start3A_24 : memref<232xi32, #tpu.memory_space<vmem>>) semaphore(%run_scoped3A : memref<!tpu.dma_semaphore, #tpu.memory_space<semaphore_mem>>) {add = true}
        %dma_wait3A_28 = tpu.memref_slice %arg8[%mul3A_17] : memref<10208xi32, #tpu.memory_space<vmem>> -> memref<232xi32, #tpu.memory_space<vmem>>
        %dma_wait3A_29 = arith.constant 0 : i32
        %dma_wait3A_30 = arith.constant 0 : i32
        %dma_wait3A_31 = tpu.memref_slice %arg10[%dma_wait3A_29, %dma_wait3A_30] : memref<10112x128xf32, #tpu.memory_space<vmem_shared>> -> memref<10112x128xf32, #tpu.memory_space<vmem_shared>>
        tpu.wait_indirect_dma semaphore(%run_scoped3A : memref<!tpu.dma_semaphore, #tpu.memory_space<semaphore_mem>>) src(%arg9 : memref<232x128xf32, #tpu.memory_space<vmem>>) dst(%dma_wait3A_31 : memref<10112x128xf32, #tpu.memory_space<vmem_shared>>)
        tpu.yield
      }) : () -> ()
    }
    %scan3A_9 = arith.constant 44 : i32
    %barrier3A_10 = arith.constant 0 : index
    tpu.barrier barrier_id(%barrier3A_10)
    %mul3A_11 = arith.constant 632 : i32
    %mul3A_12 = arith.muli %arg1, %mul3A_11 : i32
    %mul3A_13 = arith.constant 632 : i32
    %mul3A_14 = arith.muli %arg1, %mul3A_13 : i32
    "tpu.region"() ({
      %run_scoped3A = tpu.sem_alloc : memref<!tpu.dma_semaphore, #tpu.memory_space<semaphore_mem>>
      %dma_start3A = arith.constant 0 : i32
      %dma_start3A_15 = tpu.memref_slice %arg6[%arg0, %mul3A_14, %dma_start3A] : memref<2x10112x128xf32, #tpu.memory_space<hbm>> -> memref<1x632x128xf32, #tpu.memory_space<hbm>>
      %dma_start3A_16 = tpu.memref_squeeze %dma_start3A_15 : memref<1x632x128xf32, #tpu.memory_space<hbm>> -> memref<632x128xf32, #tpu.memory_space<hbm>>
      %dma_start3A_17 = arith.constant 0 : i32
      %dma_start3A_18 = tpu.memref_slice %arg10[%mul3A_12, %dma_start3A_17] : memref<10112x128xf32, #tpu.memory_space<vmem_shared>> -> memref<632x128xf32, #tpu.memory_space<vmem_shared>>
      tpu.enqueue_dma source(%dma_start3A_18 : memref<632x128xf32, #tpu.memory_space<vmem_shared>>) target(%dma_start3A_16 : memref<632x128xf32, #tpu.memory_space<hbm>>) target_semaphore(%run_scoped3A : memref<!tpu.dma_semaphore, #tpu.memory_space<semaphore_mem>>)
      %dma_wait3A = arith.constant 0 : i32
      %dma_wait3A_19 = tpu.memref_slice %arg6[%arg0, %mul3A_14, %dma_wait3A] : memref<2x10112x128xf32, #tpu.memory_space<hbm>> -> memref<1x632x128xf32, #tpu.memory_space<hbm>>
      %dma_wait3A_20 = tpu.memref_squeeze %dma_wait3A_19 : memref<1x632x128xf32, #tpu.memory_space<hbm>> -> memref<632x128xf32, #tpu.memory_space<hbm>>
      %dma_wait3A_21 = arith.constant 0 : i32
      %dma_wait3A_22 = tpu.memref_slice %arg10[%mul3A_12, %dma_wait3A_21] : memref<10112x128xf32, #tpu.memory_space<vmem_shared>> -> memref<632x128xf32, #tpu.memory_space<vmem_shared>>
      tpu.wait_dma2 semaphore(%run_scoped3A : memref<!tpu.dma_semaphore, #tpu.memory_space<semaphore_mem>>) src(%dma_wait3A_22 : memref<632x128xf32, #tpu.memory_space<vmem_shared>>) dst(%dma_wait3A_20 : memref<632x128xf32, #tpu.memory_space<hbm>>)
      tpu.yield
    }) : () -> ()
    return
  }
}

#map = affine_map<(d0, d1) -> (0, 0)>
#map1 = affine_map<(d0, d1) -> (0, 0, 0)>
module attributes {stable_mosaic.version = 14 : i64} {
  func.func @_sc_agg(%arg0: i32, %arg1: i32, %arg2: memref<10000x128xf32, #tpu.memory_space<hbm>>, %arg3: memref<32x10208xi32, #tpu.memory_space<hbm>>, %arg4: memref<32x10208xi32, #tpu.memory_space<hbm>>, %arg5: memref<10112x128xf32, #tpu.memory_space<hbm>>, %arg6: memref<2x10112x128xf32, #tpu.memory_space<hbm>>, %arg7: memref<10208xi32, #tpu.memory_space<vmem>>, %arg8: memref<10208xi32, #tpu.memory_space<vmem>>, %arg9: memref<232x128xf32, #tpu.memory_space<vmem>>, %arg10: memref<10112x128xf32, #tpu.memory_space<vmem_shared>>, %arg11: memref<!tpu.dma_semaphore, #tpu.memory_space<semaphore_mem>>) attributes {dimension_semantics = [#tpu.dimension_semantics<core_parallel>, #tpu.dimension_semantics<subcore_parallel>], iteration_bounds = array<i64: 2, 16>, scalar_prefetch = 0 : i64, scratch_operands = 5 : i64, tpu.core_type = #tpu.core_type<sc_vector_subcore>, window_params = [{transform_indices = #map}, {transform_indices = #map}, {transform_indices = #map}, {transform_indices = #map}, {transform_indices = #map1}]} {
    %mul3A = arith.constant 16 : i32
    %mul3A_0 = arith.muli %arg0, %mul3A : i32
    %add3A = arith.addi %mul3A_0, %arg1 : i32
    %mul3A_1 = arith.constant 632 : i32
    %mul3A_2 = arith.muli %arg1, %mul3A_1 : i32
    %mul3A_3 = arith.constant 632 : i32
    %mul3A_4 = arith.muli %arg1, %mul3A_3 : i32
    "tpu.region"() ({
      %run_scoped3A = tpu.sem_alloc : memref<!tpu.dma_semaphore, #tpu.memory_space<semaphore_mem>>
      %dma_start3A = arith.constant 0 : i32
      %dma_start3A_15 = tpu.memref_slice %arg10[%mul3A_4, %dma_start3A] : memref<10112x128xf32, #tpu.memory_space<vmem_shared>> -> memref<632x128xf32, #tpu.memory_space<vmem_shared>>
      %dma_start3A_16 = arith.constant 0 : i32
      %dma_start3A_17 = tpu.memref_slice %arg5[%mul3A_2, %dma_start3A_16] : memref<10112x128xf32, #tpu.memory_space<hbm>> -> memref<632x128xf32, #tpu.memory_space<hbm>>
      tpu.enqueue_dma source(%dma_start3A_17 : memref<632x128xf32, #tpu.memory_space<hbm>>) target(%dma_start3A_15 : memref<632x128xf32, #tpu.memory_space<vmem_shared>>) target_semaphore(%run_scoped3A : memref<!tpu.dma_semaphore, #tpu.memory_space<semaphore_mem>>)
      %dma_wait3A = arith.constant 0 : i32
      %dma_wait3A_18 = tpu.memref_slice %arg10[%mul3A_4, %dma_wait3A] : memref<10112x128xf32, #tpu.memory_space<vmem_shared>> -> memref<632x128xf32, #tpu.memory_space<vmem_shared>>
      %dma_wait3A_19 = arith.constant 0 : i32
      %dma_wait3A_20 = tpu.memref_slice %arg5[%mul3A_2, %dma_wait3A_19] : memref<10112x128xf32, #tpu.memory_space<hbm>> -> memref<632x128xf32, #tpu.memory_space<hbm>>
      tpu.wait_dma2 semaphore(%run_scoped3A : memref<!tpu.dma_semaphore, #tpu.memory_space<semaphore_mem>>) src(%dma_wait3A_20 : memref<632x128xf32, #tpu.memory_space<hbm>>) dst(%dma_wait3A_18 : memref<632x128xf32, #tpu.memory_space<vmem_shared>>)
      tpu.yield
    }) : () -> ()
    "tpu.region"() ({
      %run_scoped3A = tpu.sem_alloc : memref<!tpu.dma_semaphore, #tpu.memory_space<semaphore_mem>>
      %dma_start3A = arith.constant 0 : i32
      %dma_start3A_15 = tpu.memref_slice %arg3[%add3A, %dma_start3A] : memref<32x10208xi32, #tpu.memory_space<hbm>> -> memref<1x10208xi32, #tpu.memory_space<hbm>>
      %dma_start3A_16 = tpu.memref_squeeze %dma_start3A_15 : memref<1x10208xi32, #tpu.memory_space<hbm>> -> memref<10208xi32, #tpu.memory_space<hbm>>
      %dma_start3A_17 = arith.constant 0 : i32
      %dma_start3A_18 = tpu.memref_slice %arg3[%add3A, %dma_start3A_17] : memref<32x10208xi32, #tpu.memory_space<hbm>> -> memref<1x10208xi32, #tpu.memory_space<hbm>>
      %dma_start3A_19 = tpu.memref_squeeze %dma_start3A_18 : memref<1x10208xi32, #tpu.memory_space<hbm>> -> memref<10208xi32, #tpu.memory_space<hbm>>
      tpu.enqueue_dma source(%dma_start3A_19 : memref<10208xi32, #tpu.memory_space<hbm>>) target(%arg7 : memref<10208xi32, #tpu.memory_space<vmem>>) target_semaphore(%run_scoped3A : memref<!tpu.dma_semaphore, #tpu.memory_space<semaphore_mem>>)
      %dma_wait3A = arith.constant 0 : i32
      %dma_wait3A_20 = tpu.memref_slice %arg3[%add3A, %dma_wait3A] : memref<32x10208xi32, #tpu.memory_space<hbm>> -> memref<1x10208xi32, #tpu.memory_space<hbm>>
      %dma_wait3A_21 = tpu.memref_squeeze %dma_wait3A_20 : memref<1x10208xi32, #tpu.memory_space<hbm>> -> memref<10208xi32, #tpu.memory_space<hbm>>
      %dma_wait3A_22 = arith.constant 0 : i32
      %dma_wait3A_23 = tpu.memref_slice %arg3[%add3A, %dma_wait3A_22] : memref<32x10208xi32, #tpu.memory_space<hbm>> -> memref<1x10208xi32, #tpu.memory_space<hbm>>
      %dma_wait3A_24 = tpu.memref_squeeze %dma_wait3A_23 : memref<1x10208xi32, #tpu.memory_space<hbm>> -> memref<10208xi32, #tpu.memory_space<hbm>>
      tpu.wait_dma2 semaphore(%run_scoped3A : memref<!tpu.dma_semaphore, #tpu.memory_space<semaphore_mem>>) src(%dma_wait3A_24 : memref<10208xi32, #tpu.memory_space<hbm>>) dst(%arg7 : memref<10208xi32, #tpu.memory_space<vmem>>)
      tpu.yield
    }) : () -> ()
    "tpu.region"() ({
      %run_scoped3A = tpu.sem_alloc : memref<!tpu.dma_semaphore, #tpu.memory_space<semaphore_mem>>
      %dma_start3A = arith.constant 0 : i32
      %dma_start3A_15 = tpu.memref_slice %arg4[%add3A, %dma_start3A] : memref<32x10208xi32, #tpu.memory_space<hbm>> -> memref<1x10208xi32, #tpu.memory_space<hbm>>
      %dma_start3A_16 = tpu.memref_squeeze %dma_start3A_15 : memref<1x10208xi32, #tpu.memory_space<hbm>> -> memref<10208xi32, #tpu.memory_space<hbm>>
      %dma_start3A_17 = arith.constant 0 : i32
      %dma_start3A_18 = tpu.memref_slice %arg4[%add3A, %dma_start3A_17] : memref<32x10208xi32, #tpu.memory_space<hbm>> -> memref<1x10208xi32, #tpu.memory_space<hbm>>
      %dma_start3A_19 = tpu.memref_squeeze %dma_start3A_18 : memref<1x10208xi32, #tpu.memory_space<hbm>> -> memref<10208xi32, #tpu.memory_space<hbm>>
      tpu.enqueue_dma source(%dma_start3A_19 : memref<10208xi32, #tpu.memory_space<hbm>>) target(%arg8 : memref<10208xi32, #tpu.memory_space<vmem>>) target_semaphore(%run_scoped3A : memref<!tpu.dma_semaphore, #tpu.memory_space<semaphore_mem>>)
      %dma_wait3A = arith.constant 0 : i32
      %dma_wait3A_20 = tpu.memref_slice %arg4[%add3A, %dma_wait3A] : memref<32x10208xi32, #tpu.memory_space<hbm>> -> memref<1x10208xi32, #tpu.memory_space<hbm>>
      %dma_wait3A_21 = tpu.memref_squeeze %dma_wait3A_20 : memref<1x10208xi32, #tpu.memory_space<hbm>> -> memref<10208xi32, #tpu.memory_space<hbm>>
      %dma_wait3A_22 = arith.constant 0 : i32
      %dma_wait3A_23 = tpu.memref_slice %arg4[%add3A, %dma_wait3A_22] : memref<32x10208xi32, #tpu.memory_space<hbm>> -> memref<1x10208xi32, #tpu.memory_space<hbm>>
      %dma_wait3A_24 = tpu.memref_squeeze %dma_wait3A_23 : memref<1x10208xi32, #tpu.memory_space<hbm>> -> memref<10208xi32, #tpu.memory_space<hbm>>
      tpu.wait_dma2 semaphore(%run_scoped3A : memref<!tpu.dma_semaphore, #tpu.memory_space<semaphore_mem>>) src(%dma_wait3A_24 : memref<10208xi32, #tpu.memory_space<hbm>>) dst(%arg8 : memref<10208xi32, #tpu.memory_space<vmem>>)
      tpu.yield
    }) : () -> ()
    %barrier3A = arith.constant 0 : index
    tpu.barrier barrier_id(%barrier3A)
    %scan3A = arith.constant 0 : i32
    %scan3A_5 = arith.constant 0 : i32
    %scan3A_6 = arith.constant 44 : i32
    %scan3A_7 = arith.addi %scan3A_5, %scan3A_6 : i32
    %scan3A_8 = arith.constant 1 : i32
    scf.for %scan3A_15 = %scan3A_5 to %scan3A_7 step %scan3A_8  : i32 {
      %mul3A_16 = arith.constant 232 : i32
      %mul3A_17 = arith.muli %scan3A_15, %mul3A_16 : i32
      %dma_start3A = tpu.memref_slice %arg7[%mul3A_17] : memref<10208xi32, #tpu.memory_space<vmem>> -> memref<232xi32, #tpu.memory_space<vmem>>
      %dma_start3A_18 = arith.constant 0 : i32
      %dma_start3A_19 = arith.constant 0 : i32
      %dma_start3A_20 = tpu.memref_slice %arg2[%dma_start3A_18, %dma_start3A_19] : memref<10000x128xf32, #tpu.memory_space<hbm>> -> memref<10000x128xf32, #tpu.memory_space<hbm>>
      tpu.enqueue_indirect_dma source(%dma_start3A_20 : memref<10000x128xf32, #tpu.memory_space<hbm>>) target(%arg9 : memref<232x128xf32, #tpu.memory_space<vmem>>) offsets(%dma_start3A : memref<232xi32, #tpu.memory_space<vmem>>) semaphore(%arg11 : memref<!tpu.dma_semaphore, #tpu.memory_space<semaphore_mem>>)
      %dma_wait3A = tpu.memref_slice %arg7[%mul3A_17] : memref<10208xi32, #tpu.memory_space<vmem>> -> memref<232xi32, #tpu.memory_space<vmem>>
      %dma_wait3A_21 = arith.constant 0 : i32
      %dma_wait3A_22 = arith.constant 0 : i32
      %dma_wait3A_23 = tpu.memref_slice %arg2[%dma_wait3A_21, %dma_wait3A_22] : memref<10000x128xf32, #tpu.memory_space<hbm>> -> memref<10000x128xf32, #tpu.memory_space<hbm>>
      tpu.wait_indirect_dma semaphore(%arg11 : memref<!tpu.dma_semaphore, #tpu.memory_space<semaphore_mem>>) src(%dma_wait3A_23 : memref<10000x128xf32, #tpu.memory_space<hbm>>) dst(%arg9 : memref<232x128xf32, #tpu.memory_space<vmem>>)
      "tpu.region"() ({
        %run_scoped3A = tpu.sem_alloc : memref<!tpu.dma_semaphore, #tpu.memory_space<semaphore_mem>>
        %dma_start3A_24 = tpu.memref_slice %arg8[%mul3A_17] : memref<10208xi32, #tpu.memory_space<vmem>> -> memref<232xi32, #tpu.memory_space<vmem>>
        %dma_start3A_25 = arith.constant 0 : i32
        %dma_start3A_26 = arith.constant 0 : i32
        %dma_start3A_27 = tpu.memref_slice %arg10[%dma_start3A_25, %dma_start3A_26] : memref<10112x128xf32, #tpu.memory_space<vmem_shared>> -> memref<10112x128xf32, #tpu.memory_space<vmem_shared>>
        tpu.enqueue_indirect_dma source(%arg9 : memref<232x128xf32, #tpu.memory_space<vmem>>) target(%dma_start3A_27 : memref<10112x128xf32, #tpu.memory_space<vmem_shared>>) offsets(%dma_start3A_24 : memref<232xi32, #tpu.memory_space<vmem>>) semaphore(%run_scoped3A : memref<!tpu.dma_semaphore, #tpu.memory_space<semaphore_mem>>) {add = true}
        %dma_wait3A_28 = tpu.memref_slice %arg8[%mul3A_17] : memref<10208xi32, #tpu.memory_space<vmem>> -> memref<232xi32, #tpu.memory_space<vmem>>
        %dma_wait3A_29 = arith.constant 0 : i32
        %dma_wait3A_30 = arith.constant 0 : i32
        %dma_wait3A_31 = tpu.memref_slice %arg10[%dma_wait3A_29, %dma_wait3A_30] : memref<10112x128xf32, #tpu.memory_space<vmem_shared>> -> memref<10112x128xf32, #tpu.memory_space<vmem_shared>>
        tpu.wait_indirect_dma semaphore(%run_scoped3A : memref<!tpu.dma_semaphore, #tpu.memory_space<semaphore_mem>>) src(%arg9 : memref<232x128xf32, #tpu.memory_space<vmem>>) dst(%dma_wait3A_31 : memref<10112x128xf32, #tpu.memory_space<vmem_shared>>)
        tpu.yield
      }) : () -> ()
    }
    %scan3A_9 = arith.constant 44 : i32
    %barrier3A_10 = arith.constant 0 : index
    tpu.barrier barrier_id(%barrier3A_10)
    %mul3A_11 = arith.constant 632 : i32
    %mul3A_12 = arith.muli %arg1, %mul3A_11 : i32
    %mul3A_13 = arith.constant 632 : i32
    %mul3A_14 = arith.muli %arg1, %mul3A_13 : i32
    "tpu.region"() ({
      %run_scoped3A = tpu.sem_alloc : memref<!tpu.dma_semaphore, #tpu.memory_space<semaphore_mem>>
      %dma_start3A = arith.constant 0 : i32
      %dma_start3A_15 = tpu.memref_slice %arg6[%arg0, %mul3A_14, %dma_start3A] : memref<2x10112x128xf32, #tpu.memory_space<hbm>> -> memref<1x632x128xf32, #tpu.memory_space<hbm>>
      %dma_start3A_16 = tpu.memref_squeeze %dma_start3A_15 : memref<1x632x128xf32, #tpu.memory_space<hbm>> -> memref<632x128xf32, #tpu.memory_space<hbm>>
      %dma_start3A_17 = arith.constant 0 : i32
      %dma_start3A_18 = tpu.memref_slice %arg10[%mul3A_12, %dma_start3A_17] : memref<10112x128xf32, #tpu.memory_space<vmem_shared>> -> memref<632x128xf32, #tpu.memory_space<vmem_shared>>
      tpu.enqueue_dma source(%dma_start3A_18 : memref<632x128xf32, #tpu.memory_space<vmem_shared>>) target(%dma_start3A_16 : memref<632x128xf32, #tpu.memory_space<hbm>>) target_semaphore(%run_scoped3A : memref<!tpu.dma_semaphore, #tpu.memory_space<semaphore_mem>>)
      %dma_wait3A = arith.constant 0 : i32
      %dma_wait3A_19 = tpu.memref_slice %arg6[%arg0, %mul3A_14, %dma_wait3A] : memref<2x10112x128xf32, #tpu.memory_space<hbm>> -> memref<1x632x128xf32, #tpu.memory_space<hbm>>
      %dma_wait3A_20 = tpu.memref_squeeze %dma_wait3A_19 : memref<1x632x128xf32, #tpu.memory_space<hbm>> -> memref<632x128xf32, #tpu.memory_space<hbm>>
      %dma_wait3A_21 = arith.constant 0 : i32
      %dma_wait3A_22 = tpu.memref_slice %arg10[%mul3A_12, %dma_wait3A_21] : memref<10112x128xf32, #tpu.memory_space<vmem_shared>> -> memref<632x128xf32, #tpu.memory_space<vmem_shared>>
      tpu.wait_dma2 semaphore(%run_scoped3A : memref<!tpu.dma_semaphore, #tpu.memory_space<semaphore_mem>>) src(%dma_wait3A_22 : memref<632x128xf32, #tpu.memory_space<vmem_shared>>) dst(%dma_wait3A_20 : memref<632x128xf32, #tpu.memory_space<hbm>>)
      tpu.yield
    }) : () -> ()
    return
  }
}

module attributes {stable_mosaic.version = 14 : i64} {
  func.func @_mlp_body(%arg0: i32, %arg1: memref<1000x128xf32, #tpu.memory_space<vmem>>, %arg2: memref<2x1000x128xf32, #tpu.memory_space<vmem>>, %arg3: memref<128x128xf32, #tpu.memory_space<vmem>>, %arg4: memref<128xf32, #tpu.memory_space<vmem>>, %arg5: memref<128x128xf32, #tpu.memory_space<vmem>>, %arg6: memref<128xf32, #tpu.memory_space<vmem>>, %arg7: memref<1000x128xf32, #tpu.memory_space<vmem>>) attributes {dimension_semantics = [#tpu.dimension_semantics<arbitrary>], iteration_bounds = array<i64: 10>, scalar_prefetch = 0 : i64, scratch_operands = 0 : i64, tpu.core_type = #tpu.core_type<tc>, window_params = [{transform_indices = @transform_0, window_bounds = array<i64: 1000, 128>}, {transform_indices = @transform_1, window_bounds = array<i64: 2, 1000, 128>}, {pipeline_mode = #tpu.pipeline_mode<synchronous>, transform_indices = @transform_2, window_bounds = array<i64: 128, 128>}, {pipeline_mode = #tpu.pipeline_mode<synchronous>, transform_indices = @transform_3, window_bounds = array<i64: 128>}, {pipeline_mode = #tpu.pipeline_mode<synchronous>, transform_indices = @transform_4, window_bounds = array<i64: 128, 128>}, {pipeline_mode = #tpu.pipeline_mode<synchronous>, transform_indices = @transform_5, window_bounds = array<i64: 128>}, {transform_indices = @transform_6, window_bounds = array<i64: 1000, 128>}]} {
    %get3A = arith.constant 0 : index
    %get3A_0 = arith.constant 0 : index
    %get3A_1 = vector.load %arg1[%get3A, %get3A_0] : memref<1000x128xf32, #tpu.memory_space<vmem>>, vector<1000x128xf32>
    %get3A_2 = arith.constant 0 : index
    %get3A_3 = arith.constant 0 : index
    %get3A_4 = arith.constant 0 : index
    %get3A_5 = vector.load %arg2[%get3A_2, %get3A_3, %get3A_4] : memref<2x1000x128xf32, #tpu.memory_space<vmem>>, vector<1x1000x128xf32>
    %get3A_6 = vector.shape_cast %get3A_5 : vector<1x1000x128xf32> to vector<1000x128xf32>
    %add3A = arith.addf %get3A_1, %get3A_6 : vector<1000x128xf32>
    %get3A_7 = arith.constant 1 : index
    %get3A_8 = arith.constant 0 : index
    %get3A_9 = arith.constant 0 : index
    %get3A_10 = vector.load %arg2[%get3A_7, %get3A_8, %get3A_9] : memref<2x1000x128xf32, #tpu.memory_space<vmem>>, vector<1x1000x128xf32>
    %get3A_11 = vector.shape_cast %get3A_10 : vector<1x1000x128xf32> to vector<1000x128xf32>
    %add3A_12 = arith.addf %add3A, %get3A_11 : vector<1000x128xf32>
    %get3A_13 = arith.constant 0 : index
    %get3A_14 = arith.constant 0 : index
    %get3A_15 = vector.load %arg3[%get3A_13, %get3A_14] : memref<128x128xf32, #tpu.memory_space<vmem>>, vector<128x128xf32>
    %dot_general3A = arith.constant dense<0.000000e+00> : vector<1000x128xf32>
    %dot_general3A_16 = tpu.matmul %add3A_12, %get3A_15, %dot_general3A {dimension_numbers = #tpu.dot_dimension_numbers<[1], [0], [0], [1], [0, 0, 1, 1], [], []>, transpose_lhs_hint = false} : vector<1000x128xf32>, vector<128x128xf32>, vector<1000x128xf32> -> vector<1000x128xf32>
    %get3A_17 = arith.constant 0 : index
    %get3A_18 = vector.load %arg4[%get3A_17] : memref<128xf32, #tpu.memory_space<vmem>>, vector<128xf32>
    %broadcast_in_dim3A = vector.shape_cast %get3A_18 : vector<128xf32> to vector<1x128xf32>
    %add3A_19 = vector.broadcast %broadcast_in_dim3A : vector<1x128xf32> to vector<1000x128xf32>
    %add3A_20 = arith.addf %dot_general3A_16, %add3A_19 : vector<1000x128xf32>
    %gt3A = arith.constant 0.000000e+00 : f32
    %gt3A_21 = vector.broadcast %gt3A : f32 to vector<1000x128xf32>
    %gt3A_22 = arith.cmpf ogt, %add3A_20, %gt3A_21 : vector<1000x128xf32>
    %exp3A = math.exp %add3A_20 : vector<1000x128xf32>
    %sub3A = arith.constant 1.000000e+00 : f32
    %sub3A_23 = vector.broadcast %sub3A : f32 to vector<1000x128xf32>
    %sub3A_24 = arith.subf %exp3A, %sub3A_23 : vector<1000x128xf32>
    %select_n3A = arith.select %gt3A_22, %add3A_20, %sub3A_24 : vector<1000x128xi1>, vector<1000x128xf32>
    %get3A_25 = arith.constant 0 : index
    %get3A_26 = arith.constant 0 : index
    %get3A_27 = vector.load %arg5[%get3A_25, %get3A_26] : memref<128x128xf32, #tpu.memory_space<vmem>>, vector<128x128xf32>
    %dot_general3A_28 = arith.constant dense<0.000000e+00> : vector<1000x128xf32>
    %dot_general3A_29 = tpu.matmul %select_n3A, %get3A_27, %dot_general3A_28 {dimension_numbers = #tpu.dot_dimension_numbers<[1], [0], [0], [1], [0, 0, 1, 1], [], []>, transpose_lhs_hint = false} : vector<1000x128xf32>, vector<128x128xf32>, vector<1000x128xf32> -> vector<1000x128xf32>
    %get3A_30 = arith.constant 0 : index
    %get3A_31 = vector.load %arg6[%get3A_30] : memref<128xf32, #tpu.memory_space<vmem>>, vector<128xf32>
    %broadcast_in_dim3A_32 = vector.shape_cast %get3A_31 : vector<128xf32> to vector<1x128xf32>
    %add3A_33 = vector.broadcast %broadcast_in_dim3A_32 : vector<1x128xf32> to vector<1000x128xf32>
    %add3A_34 = arith.addf %dot_general3A_29, %add3A_33 : vector<1000x128xf32>
    %gt3A_35 = arith.constant 0.000000e+00 : f32
    %gt3A_36 = vector.broadcast %gt3A_35 : f32 to vector<1000x128xf32>
    %gt3A_37 = arith.cmpf ogt, %add3A_34, %gt3A_36 : vector<1000x128xf32>
    %exp3A_38 = math.exp %add3A_34 : vector<1000x128xf32>
    %sub3A_39 = arith.constant 1.000000e+00 : f32
    %sub3A_40 = vector.broadcast %sub3A_39 : f32 to vector<1000x128xf32>
    %sub3A_41 = arith.subf %exp3A_38, %sub3A_40 : vector<1000x128xf32>
    %select_n3A_42 = arith.select %gt3A_37, %add3A_34, %sub3A_41 : vector<1000x128xi1>, vector<1000x128xf32>
    %swap3A = arith.constant 0 : index
    %swap3A_43 = arith.constant 0 : index
    %swap3A_44 = vector.load %arg7[%swap3A, %swap3A_43] : memref<1000x128xf32, #tpu.memory_space<vmem>>, vector<1000x128xf32>
    tpu.vector_store %arg7[%swap3A, %swap3A_43], %select_n3A_42 {strides = array<i32>} : memref<1000x128xf32, #tpu.memory_space<vmem>>, vector<1000x128xf32>,
    return
  }
  func.func @transform_0(%arg0: i32) -> (i32, i32) {
    %c0_i32 = arith.constant 0 : i32
    %c0_i32_0 = arith.constant 0 : i32
    return %arg0, %c0_i32 : i32, i32
  }
  func.func @transform_1(%arg0: i32) -> (i32, i32, i32) {
    %c0_i32 = arith.constant 0 : i32
    %c0_i32_0 = arith.constant 0 : i32
    %c0_i32_1 = arith.constant 0 : i32
    return %c0_i32, %arg0, %c0_i32_0 : i32, i32, i32
  }
  func.func @transform_2(%arg0: i32) -> (i32, i32) {
    %c0_i32 = arith.constant 0 : i32
    %c0_i32_0 = arith.constant 0 : i32
    %c0_i32_1 = arith.constant 0 : i32
    return %c0_i32, %c0_i32_0 : i32, i32
  }
  func.func @transform_3(%arg0: i32) -> i32 {
    %c0_i32 = arith.constant 0 : i32
    %c0_i32_0 = arith.constant 0 : i32
    return %c0_i32 : i32
  }
  func.func @transform_4(%arg0: i32) -> (i32, i32) {
    %c0_i32 = arith.constant 0 : i32
    %c0_i32_0 = arith.constant 0 : i32
    %c0_i32_1 = arith.constant 0 : i32
    return %c0_i32, %c0_i32_0 : i32, i32
  }
  func.func @transform_5(%arg0: i32) -> i32 {
    %c0_i32 = arith.constant 0 : i32
    %c0_i32_0 = arith.constant 0 : i32
    return %c0_i32 : i32
  }
  func.func @transform_6(%arg0: i32) -> (i32, i32) {
    %c0_i32 = arith.constant 0 : i32
    %c0_i32_0 = arith.constant 0 : i32
    return %arg0, %c0_i32 : i32, i32
  }
}

module attributes {stable_mosaic.version = 14 : i64} {
  func.func @_final_body(%arg0: i32, %arg1: memref<1000x128xf32, #tpu.memory_space<vmem>>, %arg2: memref<2x1000x128xf32, #tpu.memory_space<vmem>>, %arg3: memref<128x128xf32, #tpu.memory_space<vmem>>, %arg4: memref<128xf32, #tpu.memory_space<vmem>>, %arg5: memref<128x128xf32, #tpu.memory_space<vmem>>, %arg6: memref<128xf32, #tpu.memory_space<vmem>>, %arg7: memref<128x128xf32, #tpu.memory_space<vmem>>, %arg8: memref<128xf32, #tpu.memory_space<vmem>>, %arg9: memref<128x128xf32, #tpu.memory_space<vmem>>, %arg10: memref<128xf32, #tpu.memory_space<vmem>>, %arg11: memref<1000x128xf32, #tpu.memory_space<vmem>>) attributes {dimension_semantics = [#tpu.dimension_semantics<arbitrary>], iteration_bounds = array<i64: 10>, scalar_prefetch = 0 : i64, scratch_operands = 0 : i64, tpu.core_type = #tpu.core_type<tc>, window_params = [{transform_indices = @transform_0, window_bounds = array<i64: 1000, 128>}, {transform_indices = @transform_1, window_bounds = array<i64: 2, 1000, 128>}, {pipeline_mode = #tpu.pipeline_mode<synchronous>, transform_indices = @transform_2, window_bounds = array<i64: 128, 128>}, {pipeline_mode = #tpu.pipeline_mode<synchronous>, transform_indices = @transform_3, window_bounds = array<i64: 128>}, {pipeline_mode = #tpu.pipeline_mode<synchronous>, transform_indices = @transform_4, window_bounds = array<i64: 128, 128>}, {pipeline_mode = #tpu.pipeline_mode<synchronous>, transform_indices = @transform_5, window_bounds = array<i64: 128>}, {pipeline_mode = #tpu.pipeline_mode<synchronous>, transform_indices = @transform_6, window_bounds = array<i64: 128, 128>}, {pipeline_mode = #tpu.pipeline_mode<synchronous>, transform_indices = @transform_7, window_bounds = array<i64: 128>}, {pipeline_mode = #tpu.pipeline_mode<synchronous>, transform_indices = @transform_8, window_bounds = array<i64: 128, 128>}, {pipeline_mode = #tpu.pipeline_mode<synchronous>, transform_indices = @transform_9, window_bounds = array<i64: 128>}, {transform_indices = @transform_10, window_bounds = array<i64: 1000, 128>}]} {
    %get3A = arith.constant 0 : index
    %get3A_0 = arith.constant 0 : index
    %get3A_1 = vector.load %arg1[%get3A, %get3A_0] : memref<1000x128xf32, #tpu.memory_space<vmem>>, vector<1000x128xf32>
    %get3A_2 = arith.constant 0 : index
    %get3A_3 = arith.constant 0 : index
    %get3A_4 = arith.constant 0 : index
    %get3A_5 = vector.load %arg2[%get3A_2, %get3A_3, %get3A_4] : memref<2x1000x128xf32, #tpu.memory_space<vmem>>, vector<1x1000x128xf32>
    %get3A_6 = vector.shape_cast %get3A_5 : vector<1x1000x128xf32> to vector<1000x128xf32>
    %add3A = arith.addf %get3A_1, %get3A_6 : vector<1000x128xf32>
    %get3A_7 = arith.constant 1 : index
    %get3A_8 = arith.constant 0 : index
    %get3A_9 = arith.constant 0 : index
    %get3A_10 = vector.load %arg2[%get3A_7, %get3A_8, %get3A_9] : memref<2x1000x128xf32, #tpu.memory_space<vmem>>, vector<1x1000x128xf32>
    %get3A_11 = vector.shape_cast %get3A_10 : vector<1x1000x128xf32> to vector<1000x128xf32>
    %add3A_12 = arith.addf %add3A, %get3A_11 : vector<1000x128xf32>
    %get3A_13 = arith.constant 0 : index
    %get3A_14 = arith.constant 0 : index
    %get3A_15 = vector.load %arg3[%get3A_13, %get3A_14] : memref<128x128xf32, #tpu.memory_space<vmem>>, vector<128x128xf32>
    %dot_general3A = arith.constant dense<0.000000e+00> : vector<1000x128xf32>
    %dot_general3A_16 = tpu.matmul %add3A_12, %get3A_15, %dot_general3A {dimension_numbers = #tpu.dot_dimension_numbers<[1], [0], [0], [1], [0, 0, 1, 1], [], []>, transpose_lhs_hint = false} : vector<1000x128xf32>, vector<128x128xf32>, vector<1000x128xf32> -> vector<1000x128xf32>
    %get3A_17 = arith.constant 0 : index
    %get3A_18 = vector.load %arg4[%get3A_17] : memref<128xf32, #tpu.memory_space<vmem>>, vector<128xf32>
    %broadcast_in_dim3A = vector.shape_cast %get3A_18 : vector<128xf32> to vector<1x128xf32>
    %add3A_19 = vector.broadcast %broadcast_in_dim3A : vector<1x128xf32> to vector<1000x128xf32>
    %add3A_20 = arith.addf %dot_general3A_16, %add3A_19 : vector<1000x128xf32>
    %gt3A = arith.constant 0.000000e+00 : f32
    %gt3A_21 = vector.broadcast %gt3A : f32 to vector<1000x128xf32>
    %gt3A_22 = arith.cmpf ogt, %add3A_20, %gt3A_21 : vector<1000x128xf32>
    %exp3A = math.exp %add3A_20 : vector<1000x128xf32>
    %sub3A = arith.constant 1.000000e+00 : f32
    %sub3A_23 = vector.broadcast %sub3A : f32 to vector<1000x128xf32>
    %sub3A_24 = arith.subf %exp3A, %sub3A_23 : vector<1000x128xf32>
    %select_n3A = arith.select %gt3A_22, %add3A_20, %sub3A_24 : vector<1000x128xi1>, vector<1000x128xf32>
    %get3A_25 = arith.constant 0 : index
    %get3A_26 = arith.constant 0 : index
    %get3A_27 = vector.load %arg5[%get3A_25, %get3A_26] : memref<128x128xf32, #tpu.memory_space<vmem>>, vector<128x128xf32>
    %dot_general3A_28 = arith.constant dense<0.000000e+00> : vector<1000x128xf32>
    %dot_general3A_29 = tpu.matmul %select_n3A, %get3A_27, %dot_general3A_28 {dimension_numbers = #tpu.dot_dimension_numbers<[1], [0], [0], [1], [0, 0, 1, 1], [], []>, transpose_lhs_hint = false} : vector<1000x128xf32>, vector<128x128xf32>, vector<1000x128xf32> -> vector<1000x128xf32>
    %get3A_30 = arith.constant 0 : index
    %get3A_31 = vector.load %arg6[%get3A_30] : memref<128xf32, #tpu.memory_space<vmem>>, vector<128xf32>
    %broadcast_in_dim3A_32 = vector.shape_cast %get3A_31 : vector<128xf32> to vector<1x128xf32>
    %add3A_33 = vector.broadcast %broadcast_in_dim3A_32 : vector<1x128xf32> to vector<1000x128xf32>
    %add3A_34 = arith.addf %dot_general3A_29, %add3A_33 : vector<1000x128xf32>
    %gt3A_35 = arith.constant 0.000000e+00 : f32
    %gt3A_36 = vector.broadcast %gt3A_35 : f32 to vector<1000x128xf32>
    %gt3A_37 = arith.cmpf ogt, %add3A_34, %gt3A_36 : vector<1000x128xf32>
    %exp3A_38 = math.exp %add3A_34 : vector<1000x128xf32>
    %sub3A_39 = arith.constant 1.000000e+00 : f32
    %sub3A_40 = vector.broadcast %sub3A_39 : f32 to vector<1000x128xf32>
    %sub3A_41 = arith.subf %exp3A_38, %sub3A_40 : vector<1000x128xf32>
    %select_n3A_42 = arith.select %gt3A_37, %add3A_34, %sub3A_41 : vector<1000x128xi1>, vector<1000x128xf32>
    %get3A_43 = arith.constant 0 : index
    %get3A_44 = arith.constant 0 : index
    %get3A_45 = vector.load %arg7[%get3A_43, %get3A_44] : memref<128x128xf32, #tpu.memory_space<vmem>>, vector<128x128xf32>
    %dot_general3A_46 = arith.constant dense<0.000000e+00> : vector<1000x128xf32>
    %dot_general3A_47 = tpu.matmul %select_n3A_42, %get3A_45, %dot_general3A_46 {dimension_numbers = #tpu.dot_dimension_numbers<[1], [0], [0], [1], [0, 0, 1, 1], [], []>, transpose_lhs_hint = false} : vector<1000x128xf32>, vector<128x128xf32>, vector<1000x128xf32> -> vector<1000x128xf32>
    %get3A_48 = arith.constant 0 : index
    %get3A_49 = vector.load %arg8[%get3A_48] : memref<128xf32, #tpu.memory_space<vmem>>, vector<128xf32>
    %broadcast_in_dim3A_50 = vector.shape_cast %get3A_49 : vector<128xf32> to vector<1x128xf32>
    %add3A_51 = vector.broadcast %broadcast_in_dim3A_50 : vector<1x128xf32> to vector<1000x128xf32>
    %add3A_52 = arith.addf %dot_general3A_47, %add3A_51 : vector<1000x128xf32>
    %gt3A_53 = arith.constant 0.000000e+00 : f32
    %gt3A_54 = vector.broadcast %gt3A_53 : f32 to vector<1000x128xf32>
    %gt3A_55 = arith.cmpf ogt, %add3A_52, %gt3A_54 : vector<1000x128xf32>
    %exp3A_56 = math.exp %add3A_52 : vector<1000x128xf32>
    %sub3A_57 = arith.constant 1.000000e+00 : f32
    %sub3A_58 = vector.broadcast %sub3A_57 : f32 to vector<1000x128xf32>
    %sub3A_59 = arith.subf %exp3A_56, %sub3A_58 : vector<1000x128xf32>
    %select_n3A_60 = arith.select %gt3A_55, %add3A_52, %sub3A_59 : vector<1000x128xi1>, vector<1000x128xf32>
    %get3A_61 = arith.constant 0 : index
    %get3A_62 = arith.constant 0 : index
    %get3A_63 = vector.load %arg9[%get3A_61, %get3A_62] : memref<128x128xf32, #tpu.memory_space<vmem>>, vector<128x128xf32>
    %dot_general3A_64 = arith.constant dense<0.000000e+00> : vector<1000x128xf32>
    %dot_general3A_65 = tpu.matmul %select_n3A_60, %get3A_63, %dot_general3A_64 {dimension_numbers = #tpu.dot_dimension_numbers<[1], [0], [0], [1], [0, 0, 1, 1], [], []>, transpose_lhs_hint = false} : vector<1000x128xf32>, vector<128x128xf32>, vector<1000x128xf32> -> vector<1000x128xf32>
    %get3A_66 = arith.constant 0 : index
    %get3A_67 = vector.load %arg10[%get3A_66] : memref<128xf32, #tpu.memory_space<vmem>>, vector<128xf32>
    %broadcast_in_dim3A_68 = vector.shape_cast %get3A_67 : vector<128xf32> to vector<1x128xf32>
    %add3A_69 = vector.broadcast %broadcast_in_dim3A_68 : vector<1x128xf32> to vector<1000x128xf32>
    %add3A_70 = arith.addf %dot_general3A_65, %add3A_69 : vector<1000x128xf32>
    %swap3A = arith.constant 0 : index
    %swap3A_71 = arith.constant 0 : index
    %swap3A_72 = vector.load %arg11[%swap3A, %swap3A_71] : memref<1000x128xf32, #tpu.memory_space<vmem>>, vector<1000x128xf32>
    tpu.vector_store %arg11[%swap3A, %swap3A_71], %add3A_70 {strides = array<i32>} : memref<1000x128xf32, #tpu.memory_space<vmem>>, vector<1000x128xf32>,
    return
  }
  func.func @transform_0(%arg0: i32) -> (i32, i32) {
    %c0_i32 = arith.constant 0 : i32
    %c0_i32_0 = arith.constant 0 : i32
    return %arg0, %c0_i32 : i32, i32
  }
  func.func @transform_1(%arg0: i32) -> (i32, i32, i32) {
    %c0_i32 = arith.constant 0 : i32
    %c0_i32_0 = arith.constant 0 : i32
    %c0_i32_1 = arith.constant 0 : i32
    return %c0_i32, %arg0, %c0_i32_0 : i32, i32, i32
  }
  func.func @transform_2(%arg0: i32) -> (i32, i32) {
    %c0_i32 = arith.constant 0 : i32
    %c0_i32_0 = arith.constant 0 : i32
    %c0_i32_1 = arith.constant 0 : i32
    return %c0_i32, %c0_i32_0 : i32, i32
  }
  func.func @transform_3(%arg0: i32) -> i32 {
    %c0_i32 = arith.constant 0 : i32
    %c0_i32_0 = arith.constant 0 : i32
    return %c0_i32 : i32
  }
  func.func @transform_4(%arg0: i32) -> (i32, i32) {
    %c0_i32 = arith.constant 0 : i32
    %c0_i32_0 = arith.constant 0 : i32
    %c0_i32_1 = arith.constant 0 : i32
    return %c0_i32, %c0_i32_0 : i32, i32
  }
  func.func @transform_5(%arg0: i32) -> i32 {
    %c0_i32 = arith.constant 0 : i32
    %c0_i32_0 = arith.constant 0 : i32
    return %c0_i32 : i32
  }
  func.func @transform_6(%arg0: i32) -> (i32, i32) {
    %c0_i32 = arith.constant 0 : i32
    %c0_i32_0 = arith.constant 0 : i32
    %c0_i32_1 = arith.constant 0 : i32
    return %c0_i32, %c0_i32_0 : i32, i32
  }
  func.func @transform_7(%arg0: i32) -> i32 {
    %c0_i32 = arith.constant 0 : i32
    %c0_i32_0 = arith.constant 0 : i32
    return %c0_i32 : i32
  }
  func.func @transform_8(%arg0: i32) -> (i32, i32) {
    %c0_i32 = arith.constant 0 : i32
    %c0_i32_0 = arith.constant 0 : i32
    %c0_i32_1 = arith.constant 0 : i32
    return %c0_i32, %c0_i32_0 : i32, i32
  }
  func.func @transform_9(%arg0: i32) -> i32 {
    %c0_i32 = arith.constant 0 : i32
    %c0_i32_0 = arith.constant 0 : i32
    return %c0_i32 : i32
  }
  func.func @transform_10(%arg0: i32) -> (i32, i32) {
    %c0_i32 = arith.constant 0 : i32
    %c0_i32_0 = arith.constant 0 : i32
    return %arg0, %c0_i32 : i32, i32
  }
}

</mosaic_0001>

<sc_bundles>
// kernel: kernel.11.cloned.1.call-start
scs
__scs_entry_jumppad:
0x0: {  	(pc) =	sbr.rel $0x88, $3  }
0x1: {  	(tag) =	ssettag $0x0;
	lr =	simm.s32 $0x1  }
0x2: {  	[smem:$0x3F89] =	sst lr;
	_ =	strace $0xD0000000  }
0x3: {  	_ = 	snop  }
0x4: {  	_ = 	snop  }
0x5: {  	_ = 	snop  }
0x6: {  	_ = 	snop  }
0x7: {  	_ = 	snop  }
__scs_overlays_trampoline_lowered:
0x8: {  	[smem:$0x3F98] =	sst s0  }
0x9: {  	[smem:$0x3F99] =	sst s1  }
0xa: {  	[smem:$0x3F9A] =	sst s2  }
0xb: {  	[smem:$0x3F9B] =	sst s3  }
0xc: {  	[smem:$0x3F9C] =	sst s4  }
0xd: {  	[smem:$0x3F9D] =	sst s5  }
0xe: {  	[smem:$0x3F9E] =	sst s6  }
0xf: {  	[smem:$0x3F9F] =	sst s7  }
0x10: {  	[smem:$0x3FA0] =	sst s8  }
0x11: {  	[smem:$0x3FA1] =	sst s9;
	s0 =	simm.s32 @!p0 $0x0  }
0x12: {  	s1 =	sld [smem:$0x3F87];
	s0 =	simm.s32 @p0 $0x1  }
0x13: {  	[smem:$0x3FA2] =	sst s0;
	s0 =	simm.s32 @!p1 $0x0  }
0x14: {  	s2 =	sld [smem:$0x3F86];
	s0 =	simm.s32 @p1 $0x1  }
0x15: {  	[smem:$0x3FA3] =	sst s0;
	s0 =	simm.s32 @!p2 $0x0  }
0x16: {  	s3 =	sld [smem:$0x3FDB];
	s0 =	simm.s32 @p2 $0x1  }
0x17: {  	s4 =	simm.s32 $0x1BF5;
	[smem:$0x3FA5] =	sst s0  }
0x18: {  	s0 =	sld [smem:$0x3F88];
	_ =	swait.ge [sflag:s4], $0x0  }
0x19: {  	s7 =	sld [smem:$0x3F89]  }
0x1a: {  	s8 =	sadd.s32 $0xFFFFE003, lr  }
0x1b: {  	s9 =	sadd.s32 $0xFFFFFEF7, lr;
	s5 =	simm.s32 $0xFFFFFFFF;
	p2 =	slt.u32 s8, $0xFFFFF086  }
0x1c: {  	p1 =	slt.u32 s9, $0xF7A;
	s5 =	simm.s32 @!p2 $0x0  }
0x1d: {  	s5 =	simm.s32 @p1 $0x1;
	p0 =	seq.s32 s7, s2  }
0x1e: {  	s7 =	smul.u32 @!p0 $0xF7A, s2;
	p2 =	seq.s32 @!p0 s5, $0x0  }
0x1f: {  	s9 =	smul.u32 $0xF7A, s1;
	s8 =	simm.s32 @!p0 $0x1BF5;
	p2 =	por !p2, p0  }
0x20: {  	[sflag:s8] =	ssyncset.s32 @!p0 $0xFFFFF086;
	s6 =	sadd.s32 @!p0 s3, s7;
	s7 =	simm.s32 @!p0 $0x108  }
0x21: {  	s3 =	sadd.s32 s3, s9;
	s6 =	sadd.s32 @!p0 $0x88, s6;
	s7 =	simm.s32 @p2 $0x1082  }
0x22: {  	[simem:s7], [sflag:s8] =	dma.local @!p0 [hbm:s6], $0xF7A  }
0x23: {  	s9 =	sor.u32 $0xD0000000, s2;
	s6 =	simm.s32 $0x108;
	_ =	swait.ge @!p0 [sflag:s8], $0x0  }
0x24: {  	s3 =	sadd.s32 $0x88, s3;
	s6 =	simm.s32 @!p1 $0x1082;
	[sflag:s4] =	ssyncset.s32 $0xFFFFF086  }
0x25: {  	[simem:s6], [sflag:s4] =	dma.local [hbm:s3], $0xF7A  }
0x26: {  	[smem:$0x3F89] =	sst s1;
	(tag) =	ssettag s2;
	_ =	strace s9  }
0x27: {  	s1 =	sld [smem:$0x3F99]  }
0x28: {  	s2 =	sld [smem:$0x3F9A]  }
0x29: {  	s4 =	sld [smem:$0x3F9C]  }
0x2a: {  	p0 =	seq.s32 s5, $0x0;
	s5 =	sld [smem:$0x3F9D]  }
0x2b: {  	s6 =	sld [smem:$0x3F9E]  }
0x2c: {  	s7 =	sld [smem:$0x3F9F]  }
0x2d: {  	s3 =	simm.s32 $0x108;
	s8 =	sld [smem:$0x3FA0]  }
0x2e: {  	s3 =	simm.s32 @!p0 $0x1082;
	s9 =	sld [smem:$0x3FA1]  }
0x2f: {  	lr =	sadd.s32 s0, s3;
	s0 =	sld [smem:$0x3F98]  }
0x30: {  	s3 =	sld [smem:$0x3F9B]  }
0x31: {  	[smem:$0x3FA4] =	sst s10  }
0x32: {  	s10 =	sld [smem:$0x3FA2];
	_ =	sdelay $0x3  }
0x33: {  	p0 =	seq.s32 s10, $0x1;
	s10 =	sld [smem:$0x3FA4];
	_ =	sdelay $0x3  }
0x34: {  	[smem:$0x3FA4] =	sst s10  }
0x35: {  	s10 =	sld [smem:$0x3FA3];
	_ =	sdelay $0x3  }
0x36: {  	p1 =	seq.s32 s10, $0x1;
	s10 =	sld [smem:$0x3FA4];
	_ =	sdelay $0x3  }
0x37: {  	[smem:$0x3FA4] =	sst s10  }
0x38: {  	s10 =	sld [smem:$0x3FA5]  }
0x39: {  	_ = 	snop;
	(pc) =	sbr.ind lr, $3  }
0x3a: {  	_ = 	snop  }
0x3b: {  	_ = 	snop  }
0x3c: {  	p2 =	seq.s32 s10, $0x1;
	s10 =	sld [smem:$0x3FA4]  }
0x3d: {  	_ =	shalt  }
0x3e: {  	_ =	shalt  }
0x3f: {  	_ =	shalt  }
0x40: {  	_ =	shalt  }
0x41: {  	_ =	shalt  }
0x42: {  	_ =	shalt  }
0x43: {  	_ =	shalt  }
0x44: {  	_ =	shalt  }
0x45: {  	_ =	shalt  }
0x46: {  	_ =	shalt  }
0x47: {  	_ =	shalt  }
0x48: {  	_ =	shalt  }
0x49: {  	_ =	shalt  }
0x4a: {  	_ =	shalt  }
0x4b: {  	_ =	shalt  }
0x4c: {  	_ =	shalt  }
0x4d: {  	_ =	shalt  }
0x4e: {  	_ =	shalt  }
0x4f: {  	_ =	shalt  }
0x50: {  	_ =	shalt  }
0x51: {  	_ =	shalt  }
0x52: {  	_ =	shalt  }
0x53: {  	_ =	shalt  }
0x54: {  	_ =	shalt  }
0x55: {  	_ =	shalt  }
0x56: {  	_ =	shalt  }
0x57: {  	_ =	shalt  }
0x58: {  	_ =	shalt  }
0x59: {  	_ =	shalt  }
0x5a: {  	_ =	shalt  }
0x5b: {  	_ =	shalt  }
0x5c: {  	_ =	shalt  }
0x5d: {  	_ =	shalt  }
0x5e: {  	_ =	shalt  }
0x5f: {  	_ =	shalt  }
0x60: {  	_ =	shalt  }
0x61: {  	_ =	shalt  }
0x62: {  	_ =	shalt  }
0x63: {  	_ =	shalt  }
0x64: {  	_ =	shalt  }
0x65: {  	_ =	shalt  }
0x66: {  	_ =	shalt  }
0x67: {  	_ =	shalt  }
0x68: {  	_ =	shalt  }
0x69: {  	_ =	shalt  }
0x6a: {  	_ =	shalt  }
0x6b: {  	_ =	shalt  }
0x6c: {  	_ =	shalt  }
0x6d: {  	_ =	shalt  }
0x6e: {  	_ =	shalt  }
0x6f: {  	_ =	shalt  }
0x70: {  	_ =	shalt  }
0x71: {  	_ =	shalt  }
0x72: {  	_ =	shalt  }
0x73: {  	_ =	shalt  }
0x74: {  	_ =	shalt  }
0x75: {  	_ =	shalt  }
0x76: {  	_ =	shalt  }
0x77: {  	_ =	shalt  }
0x78: {  	_ =	shalt  }
0x79: {  	_ =	shalt  }
0x7a: {  	_ =	shalt  }
0x7b: {  	_ =	shalt  }
0x7c: {  	_ =	shalt  }
0x7d: {  	_ =	shalt  }
0x7e: {  	_ =	shalt  }
0x7f: {  	_ =	shalt  }
0x80: {  	_ =	shalt  }
0x81: {  	_ =	shalt  }
0x82: {  	_ =	shalt  }
0x83: {  	_ =	shalt  }
0x84: {  	_ =	shalt  }
0x85: {  	_ =	shalt  }
0x86: {  	_ =	shalt  }
0x87: {  	_ =	shalt  }
.Lfunc_end0:
.L_simem_size_0:
called_computation.1_lowered:
.L_overlay_start_0:
0x88: {  	s2 =	sld [smem:$0x3FD9]  }
0x89: {  	s3 =	sld [smem:$0x3FFE];
	_ =	sdelay $0x1  }
0x8a: {  	s1 =	srdreg.scid  }
0x8b: {  	s0 =	sand.u32 $0x1, s1  }
0x8c: {  	s17 =	sshll.u32 s0, $0xA;
	s2 =	sadd.s32 s3, s2  }
0x8d: {  	s2 =	sadd.s32 s2, s17  }
0x8e: {  	[smem:$0x3FB0] =	sst s2  }
0x8f: {  	_ = 	snop  }
0x90: {  	s2 =	sld [smem:$0x3FD0];
	(tm) =	ssettm $0x1  }
0x91: {  	s18 =	sld [smem:$0x3FFB];
	_ =	sdelay $0x3  }
0x92: {  	_ =	strace s18  }
0x93: {  	s3 =	sld [smem:$0x3FFC];
	_ =	sdelay $0x3  }
0x94: {  	_ =	strace s3  }
0x95: {  	s3 =	sld [smem:$0x3FFD];
	_ =	sdelay $0x3  }
0x96: {  	_ =	strace s3  }
0x97: {  	_ =	strace $0x8FFFFFFF  }
0x98: {  	s19 =	sld [smem:$0x3FDB];
	_ =	sdelay $0x1  }
0x99: {  	s4 =	simm.s32 $_scs_section_size  }
0x9a: {  	s5 =	simm.s32 $_size__tile_overlayer_lowered;
	s6 =	simm.s32 $_tile_overlayer_lowered  }
0x9b: {  	s22 =	simm.s32 $0x1BFF;
	s21 =	sshll.u32 s6, $0x1;
	s3 =	sadd.s32 s4, s19  }
0x9c: {  	s7 =	simm.s32 $0x0;
	s20 =	sshll.u32 s5, $0x1;
	s5 =	sadd.s32 s21, s3  }
0x9d: {  	[timem:s7], [sflag:s22] =	dma.local [hbm:s5], s20  }
0x9e: {  	_ =	swait.ge [sflag:s22], s20  }
0x9f: {  	s4 =	ssub.s32 $0x0, s20;
	[sflag:s22] =	ssyncset.done $0x0  }
0xa0: {  	[sflag:s22] =	ssyncadd.s32 s4;
	_ =	sdelay $0x1  }
0xa1: {  	s23 =	simm.s32 $0x1B8B  }
0xa2: {  	_ =	swait.ge [sflag:s23], $0x1  }
0xa3: {  	[sflag:s23] =	ssyncset.done $0x0  }
0xa4: {  	s25 =	simm.s32 $0x1B8E;
	s24 =	sld [smem:$0x3FFE];
	[sflag:s23] =	ssyncadd.s32 $0xFFFFFFFF  }
0xa5: {  	s26 =	simm.s32 $execute0_lowered;
	[smem:$0x3FD2] =	sst s25  }
0xa6: {  	s5 =	sshll.u32 s26, $0x1;
	_ =	strace $0x80000049;
	[dreg:$0x1] =	wrdreg $0xFFFFFFFF  }
0xa7: {  	s28 =	simm.s32 $_size_execute0_lowered;
	s3 =	sadd.s32 s3, s5;
	[dreg:$0x0] =	wrdreg $0x0  }
0xa8: {  	s5 =	sshll.u32 s28, $0x1;
	[dreg:$0x2] =	wrdreg s3  }
0xa9: {  	[dreg:$0x3] =	wrdreg s5  }
0xaa: {  	[dreg:$0x4] =	wrdreg $0xC0  }
0xab: {  	_ =	task [dreg:s7], $0x5FFFF  }
0xac: {  	[dreg:$0x1] =	wrdreg $0xFFFFFFFF  }
0xad: {  	[dreg:$0x0] =	wrdreg $0x60  }
0xae: {  	[dreg:$0x2] =	wrdreg s2  }
0xaf: {  	[dreg:$0x3] =	wrdreg s24  }
0xb0: {  	[dreg:$0x4] =	wrdreg $0xC4000  }
0xb1: {  	[dreg:$0x5] =	wrdreg $0x9  }
0xb2: {  	_ =	task.clear_ibuf [dreg:s7], $0x6FFFF;
	_ =	strace $0x90000049  }
0xb3: {  	s29 =	simm.s32 $0x9;
	_ =	strace $0x8000004B  }
0xb4: {  	_ =	swait.ge [sflag:s29], $0x1  }
0xb5: {  	[sflag:s29] =	ssyncadd.s32 $0xFFFFFFFF  }
0xb6: {  	_ =	strace $0x9000004B  }
0xb7: {  	_ =	sfence  }
0xb8: {  	s30 =	sld [smem:$0x0];
	_ =	sdelay $0x2  }
0xb9: {  	s31 =	sshll.u32 s1, $0xD;
	s1 =	sshrl.u32 s1, $0x2  }
0xba: {  	s3 =	sand.u32 $0x4000, s31;
	s1 =	sadd.s32 s1, s30  }
0xbb: {  	s0 =	sor.u32 s3, s0;
	s1 =	sshll.u32 s1, $0x11  }
0xbc: {  	s0 =	sor.u32 s1, s0  }
0xbd: {  	s0 =	sadd.s32 $0x8F2B, s0  }
0xbe: {  	[sflag:s0] =	ssyncadd.remote.s32 $0x1  }
0xbf: {  	_ =	sfence.sel $0xFFFF  }
0xc0: {  	[dreg:$0x0] =	wrdreg $0xFFFFFFFF;
	(pc) =	sbr.abs _section_cstart, $3  }
0xc1: {  	[dreg:$0x1] =	wrdreg $0xFFFFFFFF  }
0xc2: {  	_ =	task.clear_ibuf [dreg:s7], $0x2FFFF;
	_ =	strace $0x9FFFFFFF  }
0xc3: {  	(tm) =	ssettm $0x7FFFFFFF  }
tec
execute0_lowered:
.L_overlay_start_1:
0x0: {  	(tag) =	ssettag $0x1  }
0x1: {  	s1 =	rddreg [dreg:$0x0]  }
0x2: {  	s0 =	srdreg.scid;
	s6 =	rddreg [dreg:$0x1]  }
0x3: {  	s3 =	rddreg [dreg:$0x2];
	s14 =	simm.s32 $0x400;
	s15 =	simm.s32 $0x2800  }
0x4: {  	s16 =	simm.s32 $0xE8;
	s5 =	sand.u32 $0x1, s0;
	s0 =	stileid.u32  }
0x5: {  	s17 =	simm.s32 $0x5000;
	s18 =	simm.s32 $0x1;
	s25 =	smul.u32 $0x13C00, s0  }
0x6: {  	s19 =	simm.s32 $0x0;
	s2 =	sshll.u32 s5, $0x4;
	s9 =	smul.u32 $0x13C000, s5  }
0x7: {  	s4 =	sshll.u32 s0, $0x7;
	s28 =	smul.u32 $0x4F000, s0;
	s5 =	ssub.s32 $0x2, s5  }
0x8: {  	s31 =	sshll.u32 s0, $0x6;
	s2 =	sor.u32 s0, s2;
	s8 =	sand.u32 $0x380, s4  }
0x9: {  	s4 =	simm.s32 $0x0;
	s29 =	sshrl.u32 s5, $0x1;
	s2 =	sshrl.u32 s2, $0x3  }
0xa: {  	[smem:$0x7FF] =	sst s4;
	s26 =	sshrl.u32 s25, $0x3;
	s7 =	smul.u32 $0x14000, s2  }
0xb: {  	s30 =	sshrl.u32 s28, $0x2;
	s12 =	ssub.s32 s5, s29;
	s2 =	rddreg [dreg:$0x3]  }
0xc: {  	_ =	strace $0x8000004A;
	s7 =	sor.u32 s8, s7;
	s8 =	sadd.s32 s25, s9  }
0xd: {  	s13 =	sadd.s32 s30, s3;
	s7 =	sshrl.u32 s7, $0x3;
	s8 =	sshrl.u32 s8, $0x3  }
0xe: {  	s10 =	sadd.s32 s7, s6;
	s7 =	sadd.s32 s26, s6;
	s11 =	sadd.s32 s8, s6  }
0xf: {  	s6 =	sor.u32 $0x1C02, s31;
	s5 =	sadd.s32 $0x18C00, s7;
	s7 =	sadd.s32 $0x4C00, s10  }
0x10: {  	s8 =	sadd.s32 $0xEC00, s10;
	s9 =	sadd.s32 $0x40400, s11;
	s10 =	smax.u32 s12, $0x1  }
0x11: {  	s11 =	sshrl.u32 s13, $0x3;
	s12 =	simm.s32 $0x2;
	s13 =	simm.s32 $0x80  }
.LBB2_1:
0x12: {  	[spmem:s11], [sflag:s6] =	dma.local [hbm:s5], $0x2780  }
0x13: {  	_ =	swait.ge [sflag:s12], $0x2780  }
0x14: {  	[sflag:s12] =	ssyncset.done $0x0  }
0x15: {  	[sflag:s12] =	ssyncadd.s32 $0xFFFFD880  }
0x16: {  	[tilespmem:s4], [sflag:$0x2] =	stream.strided.gather [hbm4b:s7+s13], $0x2800, s14, s13, $0x38;
	v63 =	vld [tilespmem:$0x0]  }
0x17: {  	_ =	swait.ge [sflag:s12], $0x2800  }
0x18: {  	[sflag:s12] =	ssyncset.done $0x0  }
0x19: {  	[sflag:s12] =	ssyncadd.s32 $0xFFFFD800  }
0x1a: {  	[tilespmem:s15], [sflag:$0x2] =	stream.strided.gather [hbm4b:s8+s13], $0x2800, s14, s13, $0x38;
	v63 =	vld [tilespmem:$0x0]  }
0x1b: {  	_ =	swait.ge [sflag:s12], $0x2800  }
0x1c: {  	[sflag:s12] =	ssyncset.done $0x0  }
0x1d: {  	[sflag:s12] =	ssyncadd.s32 $0xFFFFD800  }
0x1e: {  	s20 =	simm.s32 $0x0;
	[bflag:$0x0] =	sbarrier.arrive $0xFFFF  }
0x1f: {  	[tilespmem:s17], [sflag:$0x1] =	stream.indirect.gather [hbm4b:s1+s16], $0x80, s20, s16, $0xb8;
	v63 =	vld [tilespmem:$0x0]  }
0x20: {  	_ =	swait.ge [sflag:s18], $0x7400  }
0x21: {  	[sflag:s18] =	ssyncset.done $0x0  }
0x22: {  	s31 =	simm.s32 $0x2800;
	[sflag:s18] =	ssyncadd.s32 $0xFFFF8C00  }
0x23: {  	[spmem:s3] =	stream.indirect.scatter.add.f32 [tilespmem:s17], [sflag:$0x2], $0x80, s31, s16, $0xb8;
	v63 =	vld [tilespmem:$0x0]  }
0x24: {  	_ =	swait.ge [sflag:s12], $0x7400  }
0x25: {  	s21 =	simm.s32 $0x740;
	s20 =	simm.s32 $0x3A0;
	[sflag:s12] =	ssyncset.done $0x0  }
.LBB2_2:
0x26: {  	s22 =	sshra.s32 s20, $0x2  }
0x27: {  	[sflag:s12] =	ssyncadd.s32 $0xFFFF8C00;
	s20 =	smov.u32 s21;
	s23 =	sadd.s32 $0x3A0, s21  }
0x28: {  	[tilespmem:s17], [sflag:$0x1] =	stream.indirect.gather [hbm4b:s1+s16], $0x80, s22, s16, $0xb8;
	v63 =	vld [tilespmem:$0x0]  }
0x29: {  	p0 =	sne.s32 s21, $0x9BE0;
	_ =	swait.ge [sflag:s18], $0x7400  }
.Ltmp0:
0x2a: {  	[sflag:s18] =	ssyncset.done $0x0;
	(pc) =	sbr.rel @p0 .LBB2_2-.Ltmp0, $4  }
0x2b: {  	s21 =	sadd.s32 $0x2800, s22;
	[sflag:s18] =	ssyncadd.s32 $0xFFFF8C00  }
0x2c: {  	[spmem:s3] =	stream.indirect.scatter.add.f32 [tilespmem:s17], [sflag:$0x2], $0x80, s21, s16, $0xb8;
	v63 =	vld [tilespmem:$0x0]  }
0x2d: {  	_ =	swait.ge [sflag:s12], $0x7400  }
0x2e: {  	s21 =	smov.u32 s23;
	[sflag:s12] =	ssyncset.done $0x0  }
0x2f: {  	s20 =	sshra.s32 s20, $0x2;
	[sflag:s12] =	ssyncadd.s32 $0xFFFF8C00  }
0x30: {  	[tilespmem:s17], [sflag:$0x1] =	stream.indirect.gather [hbm4b:s1+s16], $0x80, s20, s16, $0xb8;
	v63 =	vld [tilespmem:$0x0]  }
0x31: {  	_ =	swait.ge [sflag:s18], $0x7400  }
0x32: {  	[sflag:s18] =	ssyncset.done $0x0  }
0x33: {  	s20 =	sadd.s32 $0x2800, s20;
	[sflag:s18] =	ssyncadd.s32 $0xFFFF8C00  }
0x34: {  	[spmem:s3] =	stream.indirect.scatter.add.f32 [tilespmem:s17], [sflag:$0x2], $0x80, s20, s16, $0xb8;
	v63 =	vld [tilespmem:$0x0]  }
0x35: {  	_ =	swait.ge [sflag:s12], $0x7400  }
0x36: {  	s19 =	sadd.s32 $0x1, s19;
	[sflag:s12] =	ssyncset.done $0x0  }
0x37: {  	p0 =	sne.s32 s19, s10;
	[sflag:s12] =	ssyncadd.s32 $0xFFFF8C00  }
.Ltmp1:
0x38: {  	[bflag:$0x0] =	sbarrier.arrive $0xFFFF;
	(pc) =	sbr.rel @p0 .LBB2_1-.Ltmp1, $4  }
0x39: {  	[hbm:s9], [sflag:s6] =	dma.local [spmem:s11], $0x2780  }
0x3a: {  	_ =	swait.ge [sflag:s12], $0x2780  }
0x3b: {  	[sflag:s12] =	ssyncset.done $0x0  }
0x3c: {  	[sflag:s12] =	ssyncadd.s32 $0xFFFFD880  }
0x3d: {  	_ =	sfence.sel $0x180000  }
0x3e: {  	[bflag:$0x0] =	sbarrier.arrive $0xFFFF  }
0x3f: {  	p0 =	sne.s32 s0, $0x0;
	_ =	strace $0x9000004A  }
0x40: {  	s0 =	sadd.s32 @!p0 $0x100000, s2;
	[bflag:$0x2] =	sbarrier.arrive $0xFFFF  }
0x41: {  	[sflag:s0] =	ssyncadd.tile.s32 @!p0 $0x1;
	_ =	shalt  }
.Lfunc_end2:
_tile_overlayer_lowered:
.L_overlay_start_2:
0x42: {  	(tag) =	ssettag $0x2  }
0x43: {  	s0 =	rddreg [dreg:$0x0];
	s2 =	stileid.u32  }
0x44: {  	s1 =	rddreg [dreg:$0x1];
	p0 =	sne.s32 s2, $0x0  }
0x45: {  	s3 =	rddreg [dreg:$0x2];
	[bflag:$0x3] =	sbarrier.arrive $0xFFFF;
	s2 =	simm.s32 @!p0 $0x1C02  }
0x46: {  	[timem:s3], [sflag:s2] =	dma.local @!p0 [hbm:s0], s1  }
0x47: {  	s0 =	simm.s32 @!p0 $0x2  }
0x48: {  	_ =	swait.ge @!p0 [sflag:s0], s1  }
0x49: {  	s1 =	ssub.s32 @!p0 $0x0, s1;
	[sflag:s0] =	ssyncset.done @!p0 $0x0  }
0x4a: {  	[sflag:s0] =	ssyncadd.s32 @!p0 s1  }
0x4b: {  	[bflag:$0x3] =	sbarrier.arrive $0xFFFF  }
0x4c: {  	_ =	shalt  }

// kernel: kernel.14.cloned.1.call-start
scs
__scs_entry_jumppad:
0x0: {  	(pc) =	sbr.rel $0x88, $3  }
0x1: {  	(tag) =	ssettag $0x0;
	lr =	simm.s32 $0x1  }
0x2: {  	[smem:$0x3F89] =	sst lr;
	_ =	strace $0xD0000000  }
0x3: {  	_ = 	snop  }
0x4: {  	_ = 	snop  }
0x5: {  	_ = 	snop  }
0x6: {  	_ = 	snop  }
0x7: {  	_ = 	snop  }
__scs_overlays_trampoline_lowered:
0x8: {  	[smem:$0x3F98] =	sst s0  }
0x9: {  	[smem:$0x3F99] =	sst s1  }
0xa: {  	[smem:$0x3F9A] =	sst s2  }
0xb: {  	[smem:$0x3F9B] =	sst s3  }
0xc: {  	[smem:$0x3F9C] =	sst s4  }
0xd: {  	[smem:$0x3F9D] =	sst s5  }
0xe: {  	[smem:$0x3F9E] =	sst s6  }
0xf: {  	[smem:$0x3F9F] =	sst s7  }
0x10: {  	[smem:$0x3FA0] =	sst s8  }
0x11: {  	[smem:$0x3FA1] =	sst s9;
	s0 =	simm.s32 @!p0 $0x0  }
0x12: {  	s1 =	sld [smem:$0x3F87];
	s0 =	simm.s32 @p0 $0x1  }
0x13: {  	[smem:$0x3FA2] =	sst s0;
	s0 =	simm.s32 @!p1 $0x0  }
0x14: {  	s2 =	sld [smem:$0x3F86];
	s0 =	simm.s32 @p1 $0x1  }
0x15: {  	[smem:$0x3FA3] =	sst s0;
	s0 =	simm.s32 @!p2 $0x0  }
0x16: {  	s3 =	sld [smem:$0x3FDB];
	s0 =	simm.s32 @p2 $0x1  }
0x17: {  	s4 =	simm.s32 $0x1BF5;
	[smem:$0x3FA5] =	sst s0  }
0x18: {  	s0 =	sld [smem:$0x3F88];
	_ =	swait.ge [sflag:s4], $0x0  }
0x19: {  	s7 =	sld [smem:$0x3F89]  }
0x1a: {  	s8 =	sadd.s32 $0xFFFFE003, lr  }
0x1b: {  	s9 =	sadd.s32 $0xFFFFFEF7, lr;
	s5 =	simm.s32 $0xFFFFFFFF;
	p2 =	slt.u32 s8, $0xFFFFF086  }
0x1c: {  	p1 =	slt.u32 s9, $0xF7A;
	s5 =	simm.s32 @!p2 $0x0  }
0x1d: {  	s5 =	simm.s32 @p1 $0x1;
	p0 =	seq.s32 s7, s2  }
0x1e: {  	s7 =	smul.u32 @!p0 $0xF7A, s2;
	p2 =	seq.s32 @!p0 s5, $0x0  }
0x1f: {  	s9 =	smul.u32 $0xF7A, s1;
	s8 =	simm.s32 @!p0 $0x1BF5;
	p2 =	por !p2, p0  }
0x20: {  	[sflag:s8] =	ssyncset.s32 @!p0 $0xFFFFF086;
	s6 =	sadd.s32 @!p0 s3, s7;
	s7 =	simm.s32 @!p0 $0x108  }
0x21: {  	s3 =	sadd.s32 s3, s9;
	s6 =	sadd.s32 @!p0 $0x88, s6;
	s7 =	simm.s32 @p2 $0x1082  }
0x22: {  	[simem:s7], [sflag:s8] =	dma.local @!p0 [hbm:s6], $0xF7A  }
0x23: {  	s9 =	sor.u32 $0xD0000000, s2;
	s6 =	simm.s32 $0x108;
	_ =	swait.ge @!p0 [sflag:s8], $0x0  }
0x24: {  	s3 =	sadd.s32 $0x88, s3;
	s6 =	simm.s32 @!p1 $0x1082;
	[sflag:s4] =	ssyncset.s32 $0xFFFFF086  }
0x25: {  	[simem:s6], [sflag:s4] =	dma.local [hbm:s3], $0xF7A  }
0x26: {  	[smem:$0x3F89] =	sst s1;
	(tag) =	ssettag s2;
	_ =	strace s9  }
0x27: {  	s1 =	sld [smem:$0x3F99]  }
0x28: {  	s2 =	sld [smem:$0x3F9A]  }
0x29: {  	s4 =	sld [smem:$0x3F9C]  }
0x2a: {  	p0 =	seq.s32 s5, $0x0;
	s5 =	sld [smem:$0x3F9D]  }
0x2b: {  	s6 =	sld [smem:$0x3F9E]  }
0x2c: {  	s7 =	sld [smem:$0x3F9F]  }
0x2d: {  	s3 =	simm.s32 $0x108;
	s8 =	sld [smem:$0x3FA0]  }
0x2e: {  	s3 =	simm.s32 @!p0 $0x1082;
	s9 =	sld [smem:$0x3FA1]  }
0x2f: {  	lr =	sadd.s32 s0, s3;
	s0 =	sld [smem:$0x3F98]  }
0x30: {  	s3 =	sld [smem:$0x3F9B]  }
0x31: {  	[smem:$0x3FA4] =	sst s10  }
0x32: {  	s10 =	sld [smem:$0x3FA2];
	_ =	sdelay $0x3  }
0x33: {  	p0 =	seq.s32 s10, $0x1;
	s10 =	sld [smem:$0x3FA4];
	_ =	sdelay $0x3  }
0x34: {  	[smem:$0x3FA4] =	sst s10  }
0x35: {  	s10 =	sld [smem:$0x3FA3];
	_ =	sdelay $0x3  }
0x36: {  	p1 =	seq.s32 s10, $0x1;
	s10 =	sld [smem:$0x3FA4];
	_ =	sdelay $0x3  }
0x37: {  	[smem:$0x3FA4] =	sst s10  }
0x38: {  	s10 =	sld [smem:$0x3FA5]  }
0x39: {  	_ = 	snop;
	(pc) =	sbr.ind lr, $3  }
0x3a: {  	_ = 	snop  }
0x3b: {  	_ = 	snop  }
0x3c: {  	p2 =	seq.s32 s10, $0x1;
	s10 =	sld [smem:$0x3FA4]  }
0x3d: {  	_ =	shalt  }
0x3e: {  	_ =	shalt  }
0x3f: {  	_ =	shalt  }
0x40: {  	_ =	shalt  }
0x41: {  	_ =	shalt  }
0x42: {  	_ =	shalt  }
0x43: {  	_ =	shalt  }
0x44: {  	_ =	shalt  }
0x45: {  	_ =	shalt  }
0x46: {  	_ =	shalt  }
0x47: {  	_ =	shalt  }
0x48: {  	_ =	shalt  }
0x49: {  	_ =	shalt  }
0x4a: {  	_ =	shalt  }
0x4b: {  	_ =	shalt  }
0x4c: {  	_ =	shalt  }
0x4d: {  	_ =	shalt  }
0x4e: {  	_ =	shalt  }
0x4f: {  	_ =	shalt  }
0x50: {  	_ =	shalt  }
0x51: {  	_ =	shalt  }
0x52: {  	_ =	shalt  }
0x53: {  	_ =	shalt  }
0x54: {  	_ =	shalt  }
0x55: {  	_ =	shalt  }
0x56: {  	_ =	shalt  }
0x57: {  	_ =	shalt  }
0x58: {  	_ =	shalt  }
0x59: {  	_ =	shalt  }
0x5a: {  	_ =	shalt  }
0x5b: {  	_ =	shalt  }
0x5c: {  	_ =	shalt  }
0x5d: {  	_ =	shalt  }
0x5e: {  	_ =	shalt  }
0x5f: {  	_ =	shalt  }
0x60: {  	_ =	shalt  }
0x61: {  	_ =	shalt  }
0x62: {  	_ =	shalt  }
0x63: {  	_ =	shalt  }
0x64: {  	_ =	shalt  }
0x65: {  	_ =	shalt  }
0x66: {  	_ =	shalt  }
0x67: {  	_ =	shalt  }
0x68: {  	_ =	shalt  }
0x69: {  	_ =	shalt  }
0x6a: {  	_ =	shalt  }
0x6b: {  	_ =	shalt  }
0x6c: {  	_ =	shalt  }
0x6d: {  	_ =	shalt  }
0x6e: {  	_ =	shalt  }
0x6f: {  	_ =	shalt  }
0x70: {  	_ =	shalt  }
0x71: {  	_ =	shalt  }
0x72: {  	_ =	shalt  }
0x73: {  	_ =	shalt  }
0x74: {  	_ =	shalt  }
0x75: {  	_ =	shalt  }
0x76: {  	_ =	shalt  }
0x77: {  	_ =	shalt  }
0x78: {  	_ =	shalt  }
0x79: {  	_ =	shalt  }
0x7a: {  	_ =	shalt  }
0x7b: {  	_ =	shalt  }
0x7c: {  	_ =	shalt  }
0x7d: {  	_ =	shalt  }
0x7e: {  	_ =	shalt  }
0x7f: {  	_ =	shalt  }
0x80: {  	_ =	shalt  }
0x81: {  	_ =	shalt  }
0x82: {  	_ =	shalt  }
0x83: {  	_ =	shalt  }
0x84: {  	_ =	shalt  }
0x85: {  	_ =	shalt  }
0x86: {  	_ =	shalt  }
0x87: {  	_ =	shalt  }
.Lfunc_end0:
.L_simem_size_0:
called_computation.2_lowered:
.L_overlay_start_0:
0x88: {  	s2 =	sld [smem:$0x3FD9]  }
0x89: {  	s3 =	sld [smem:$0x3FFE];
	_ =	sdelay $0x1  }
0x8a: {  	s1 =	srdreg.scid  }
0x8b: {  	s0 =	sand.u32 $0x1, s1  }
0x8c: {  	s17 =	sshll.u32 s0, $0xA;
	s2 =	sadd.s32 s3, s2  }
0x8d: {  	s2 =	sadd.s32 s2, s17  }
0x8e: {  	[smem:$0x3FB0] =	sst s2  }
0x8f: {  	_ = 	snop  }
0x90: {  	s2 =	sld [smem:$0x3FD0];
	(tm) =	ssettm $0x1  }
0x91: {  	s18 =	sld [smem:$0x3FFB];
	_ =	sdelay $0x3  }
0x92: {  	_ =	strace s18  }
0x93: {  	s3 =	sld [smem:$0x3FFC];
	_ =	sdelay $0x3  }
0x94: {  	_ =	strace s3  }
0x95: {  	s3 =	sld [smem:$0x3FFD];
	_ =	sdelay $0x3  }
0x96: {  	_ =	strace s3  }
0x97: {  	_ =	strace $0x8FFFFFFF  }
0x98: {  	s19 =	sld [smem:$0x3FDB];
	_ =	sdelay $0x1  }
0x99: {  	s4 =	simm.s32 $_scs_section_size  }
0x9a: {  	s5 =	simm.s32 $_size__tile_overlayer_lowered;
	s6 =	simm.s32 $_tile_overlayer_lowered  }
0x9b: {  	s22 =	simm.s32 $0x1BFF;
	s21 =	sshll.u32 s6, $0x1;
	s3 =	sadd.s32 s4, s19  }
0x9c: {  	s7 =	simm.s32 $0x0;
	s20 =	sshll.u32 s5, $0x1;
	s5 =	sadd.s32 s21, s3  }
0x9d: {  	[timem:s7], [sflag:s22] =	dma.local [hbm:s5], s20  }
0x9e: {  	_ =	swait.ge [sflag:s22], s20  }
0x9f: {  	s4 =	ssub.s32 $0x0, s20;
	[sflag:s22] =	ssyncset.done $0x0  }
0xa0: {  	[sflag:s22] =	ssyncadd.s32 s4;
	_ =	sdelay $0x1  }
0xa1: {  	s23 =	simm.s32 $0x1B8B  }
0xa2: {  	_ =	swait.ge [sflag:s23], $0x1  }
0xa3: {  	[sflag:s23] =	ssyncset.done $0x0  }
0xa4: {  	s25 =	simm.s32 $0x1B8E;
	s24 =	sld [smem:$0x3FFE];
	[sflag:s23] =	ssyncadd.s32 $0xFFFFFFFF  }
0xa5: {  	s26 =	simm.s32 $execute0_lowered;
	[smem:$0x3FD2] =	sst s25  }
0xa6: {  	s5 =	sshll.u32 s26, $0x1;
	_ =	strace $0x8000004C;
	[dreg:$0x1] =	wrdreg $0xFFFFFFFF  }
0xa7: {  	s28 =	simm.s32 $_size_execute0_lowered;
	s3 =	sadd.s32 s3, s5;
	[dreg:$0x0] =	wrdreg $0x0  }
0xa8: {  	s5 =	sshll.u32 s28, $0x1;
	[dreg:$0x2] =	wrdreg s3  }
0xa9: {  	[dreg:$0x3] =	wrdreg s5  }
0xaa: {  	[dreg:$0x4] =	wrdreg $0xC0  }
0xab: {  	_ =	task [dreg:s7], $0x5FFFF  }
0xac: {  	[dreg:$0x1] =	wrdreg $0xFFFFFFFF  }
0xad: {  	[dreg:$0x0] =	wrdreg $0x60  }
0xae: {  	[dreg:$0x2] =	wrdreg s2  }
0xaf: {  	[dreg:$0x3] =	wrdreg s24  }
0xb0: {  	[dreg:$0x4] =	wrdreg $0xC4000  }
0xb1: {  	[dreg:$0x5] =	wrdreg $0x9  }
0xb2: {  	_ =	task.clear_ibuf [dreg:s7], $0x6FFFF;
	_ =	strace $0x9000004C  }
0xb3: {  	s29 =	simm.s32 $0x9;
	_ =	strace $0x8000004E  }
0xb4: {  	_ =	swait.ge [sflag:s29], $0x1  }
0xb5: {  	[sflag:s29] =	ssyncadd.s32 $0xFFFFFFFF  }
0xb6: {  	_ =	strace $0x9000004E  }
0xb7: {  	_ =	sfence  }
0xb8: {  	s30 =	sld [smem:$0x0];
	_ =	sdelay $0x2  }
0xb9: {  	s31 =	sshll.u32 s1, $0xD;
	s1 =	sshrl.u32 s1, $0x2  }
0xba: {  	s3 =	sand.u32 $0x4000, s31;
	s1 =	sadd.s32 s1, s30  }
0xbb: {  	s0 =	sor.u32 s3, s0;
	s1 =	sshll.u32 s1, $0x11  }
0xbc: {  	s0 =	sor.u32 s1, s0  }
0xbd: {  	s0 =	sadd.s32 $0x8F2B, s0  }
0xbe: {  	[sflag:s0] =	ssyncadd.remote.s32 $0x1  }
0xbf: {  	_ =	sfence.sel $0xFFFF  }
0xc0: {  	[dreg:$0x0] =	wrdreg $0xFFFFFFFF;
	(pc) =	sbr.abs _section_cstart, $3  }
0xc1: {  	[dreg:$0x1] =	wrdreg $0xFFFFFFFF  }
0xc2: {  	_ =	task.clear_ibuf [dreg:s7], $0x2FFFF;
	_ =	strace $0x9FFFFFFF  }
0xc3: {  	(tm) =	ssettm $0x7FFFFFFF  }
tec
execute0_lowered:
.L_overlay_start_1:
0x0: {  	(tag) =	ssettag $0x1  }
0x1: {  	s1 =	rddreg [dreg:$0x0]  }
0x2: {  	s0 =	srdreg.scid;
	s6 =	rddreg [dreg:$0x1]  }
0x3: {  	s3 =	rddreg [dreg:$0x2];
	s14 =	simm.s32 $0x400;
	s15 =	simm.s32 $0x2800  }
0x4: {  	s16 =	simm.s32 $0xE8;
	s5 =	sand.u32 $0x1, s0;
	s0 =	stileid.u32  }
0x5: {  	s17 =	simm.s32 $0x5000;
	s18 =	simm.s32 $0x1;
	s25 =	smul.u32 $0x13C00, s0  }
0x6: {  	s19 =	simm.s32 $0x0;
	s2 =	sshll.u32 s5, $0x4;
	s9 =	smul.u32 $0x13C000, s5  }
0x7: {  	s4 =	sshll.u32 s0, $0x7;
	s28 =	smul.u32 $0x4F000, s0;
	s5 =	ssub.s32 $0x2, s5  }
0x8: {  	s31 =	sshll.u32 s0, $0x6;
	s2 =	sor.u32 s0, s2;
	s8 =	sand.u32 $0x380, s4  }
0x9: {  	s4 =	simm.s32 $0x0;
	s29 =	sshrl.u32 s5, $0x1;
	s2 =	sshrl.u32 s2, $0x3  }
0xa: {  	[smem:$0x7FF] =	sst s4;
	s26 =	sshrl.u32 s25, $0x3;
	s7 =	smul.u32 $0x14000, s2  }
0xb: {  	s30 =	sshrl.u32 s28, $0x2;
	s12 =	ssub.s32 s5, s29;
	s2 =	rddreg [dreg:$0x3]  }
0xc: {  	_ =	strace $0x8000004D;
	s7 =	sor.u32 s8, s7;
	s8 =	sadd.s32 s25, s9  }
0xd: {  	s13 =	sadd.s32 s30, s3;
	s7 =	sshrl.u32 s7, $0x3;
	s8 =	sshrl.u32 s8, $0x3  }
0xe: {  	s10 =	sadd.s32 s7, s6;
	s7 =	sadd.s32 s26, s6;
	s11 =	sadd.s32 s8, s6  }
0xf: {  	s6 =	sor.u32 $0x1C02, s31;
	s5 =	sadd.s32 $0x18C00, s7;
	s7 =	sadd.s32 $0x4C00, s10  }
0x10: {  	s8 =	sadd.s32 $0xEC00, s10;
	s9 =	sadd.s32 $0x40400, s11;
	s10 =	smax.u32 s12, $0x1  }
0x11: {  	s11 =	sshrl.u32 s13, $0x3;
	s12 =	simm.s32 $0x2;
	s13 =	simm.s32 $0x80  }
.LBB2_1:
0x12: {  	[spmem:s11], [sflag:s6] =	dma.local [hbm:s5], $0x2780  }
0x13: {  	_ =	swait.ge [sflag:s12], $0x2780  }
0x14: {  	[sflag:s12] =	ssyncset.done $0x0  }
0x15: {  	[sflag:s12] =	ssyncadd.s32 $0xFFFFD880  }
0x16: {  	[tilespmem:s4], [sflag:$0x2] =	stream.strided.gather [hbm4b:s7+s13], $0x2800, s14, s13, $0x38;
	v63 =	vld [tilespmem:$0x0]  }
0x17: {  	_ =	swait.ge [sflag:s12], $0x2800  }
0x18: {  	[sflag:s12] =	ssyncset.done $0x0  }
0x19: {  	[sflag:s12] =	ssyncadd.s32 $0xFFFFD800  }
0x1a: {  	[tilespmem:s15], [sflag:$0x2] =	stream.strided.gather [hbm4b:s8+s13], $0x2800, s14, s13, $0x38;
	v63 =	vld [tilespmem:$0x0]  }
0x1b: {  	_ =	swait.ge [sflag:s12], $0x2800  }
0x1c: {  	[sflag:s12] =	ssyncset.done $0x0  }
0x1d: {  	[sflag:s12] =	ssyncadd.s32 $0xFFFFD800  }
0x1e: {  	s20 =	simm.s32 $0x0;
	[bflag:$0x0] =	sbarrier.arrive $0xFFFF  }
0x1f: {  	[tilespmem:s17], [sflag:$0x1] =	stream.indirect.gather [hbm4b:s1+s16], $0x80, s20, s16, $0xb8;
	v63 =	vld [tilespmem:$0x0]  }
0x20: {  	_ =	swait.ge [sflag:s18], $0x7400  }
0x21: {  	[sflag:s18] =	ssyncset.done $0x0  }
0x22: {  	s31 =	simm.s32 $0x2800;
	[sflag:s18] =	ssyncadd.s32 $0xFFFF8C00  }
0x23: {  	[spmem:s3] =	stream.indirect.scatter.add.f32 [tilespmem:s17], [sflag:$0x2], $0x80, s31, s16, $0xb8;
	v63 =	vld [tilespmem:$0x0]  }
0x24: {  	_ =	swait.ge [sflag:s12], $0x7400  }
0x25: {  	s21 =	simm.s32 $0x740;
	s20 =	simm.s32 $0x3A0;
	[sflag:s12] =	ssyncset.done $0x0  }
.LBB2_2:
0x26: {  	s22 =	sshra.s32 s20, $0x2  }
0x27: {  	[sflag:s12] =	ssyncadd.s32 $0xFFFF8C00;
	s20 =	smov.u32 s21;
	s23 =	sadd.s32 $0x3A0, s21  }
0x28: {  	[tilespmem:s17], [sflag:$0x1] =	stream.indirect.gather [hbm4b:s1+s16], $0x80, s22, s16, $0xb8;
	v63 =	vld [tilespmem:$0x0]  }
0x29: {  	p0 =	sne.s32 s21, $0x9BE0;
	_ =	swait.ge [sflag:s18], $0x7400  }
.Ltmp0:
0x2a: {  	[sflag:s18] =	ssyncset.done $0x0;
	(pc) =	sbr.rel @p0 .LBB2_2-.Ltmp0, $4  }
0x2b: {  	s21 =	sadd.s32 $0x2800, s22;
	[sflag:s18] =	ssyncadd.s32 $0xFFFF8C00  }
0x2c: {  	[spmem:s3] =	stream.indirect.scatter.add.f32 [tilespmem:s17], [sflag:$0x2], $0x80, s21, s16, $0xb8;
	v63 =	vld [tilespmem:$0x0]  }
0x2d: {  	_ =	swait.ge [sflag:s12], $0x7400  }
0x2e: {  	s21 =	smov.u32 s23;
	[sflag:s12] =	ssyncset.done $0x0  }
0x2f: {  	s20 =	sshra.s32 s20, $0x2;
	[sflag:s12] =	ssyncadd.s32 $0xFFFF8C00  }
0x30: {  	[tilespmem:s17], [sflag:$0x1] =	stream.indirect.gather [hbm4b:s1+s16], $0x80, s20, s16, $0xb8;
	v63 =	vld [tilespmem:$0x0]  }
0x31: {  	_ =	swait.ge [sflag:s18], $0x7400  }
0x32: {  	[sflag:s18] =	ssyncset.done $0x0  }
0x33: {  	s20 =	sadd.s32 $0x2800, s20;
	[sflag:s18] =	ssyncadd.s32 $0xFFFF8C00  }
0x34: {  	[spmem:s3] =	stream.indirect.scatter.add.f32 [tilespmem:s17], [sflag:$0x2], $0x80, s20, s16, $0xb8;
	v63 =	vld [tilespmem:$0x0]  }
0x35: {  	_ =	swait.ge [sflag:s12], $0x7400  }
0x36: {  	s19 =	sadd.s32 $0x1, s19;
	[sflag:s12] =	ssyncset.done $0x0  }
0x37: {  	p0 =	sne.s32 s19, s10;
	[sflag:s12] =	ssyncadd.s32 $0xFFFF8C00  }
.Ltmp1:
0x38: {  	[bflag:$0x0] =	sbarrier.arrive $0xFFFF;
	(pc) =	sbr.rel @p0 .LBB2_1-.Ltmp1, $4  }
0x39: {  	[hbm:s9], [sflag:s6] =	dma.local [spmem:s11], $0x2780  }
0x3a: {  	_ =	swait.ge [sflag:s12], $0x2780  }
0x3b: {  	[sflag:s12] =	ssyncset.done $0x0  }
0x3c: {  	[sflag:s12] =	ssyncadd.s32 $0xFFFFD880  }
0x3d: {  	_ =	sfence.sel $0x180000  }
0x3e: {  	[bflag:$0x0] =	sbarrier.arrive $0xFFFF  }
0x3f: {  	p0 =	sne.s32 s0, $0x0;
	_ =	strace $0x9000004D  }
0x40: {  	s0 =	sadd.s32 @!p0 $0x100000, s2;
	[bflag:$0x2] =	sbarrier.arrive $0xFFFF  }
0x41: {  	[sflag:s0] =	ssyncadd.tile.s32 @!p0 $0x1;
	_ =	shalt  }
.Lfunc_end2:
_tile_overlayer_lowered:
.L_overlay_start_2:
0x42: {  	(tag) =	ssettag $0x2  }
0x43: {  	s0 =	rddreg [dreg:$0x0];
	s2 =	stileid.u32  }
0x44: {  	s1 =	rddreg [dreg:$0x1];
	p0 =	sne.s32 s2, $0x0  }
0x45: {  	s3 =	rddreg [dreg:$0x2];
	[bflag:$0x3] =	sbarrier.arrive $0xFFFF;
	s2 =	simm.s32 @!p0 $0x1C02  }
0x46: {  	[timem:s3], [sflag:s2] =	dma.local @!p0 [hbm:s0], s1  }
0x47: {  	s0 =	simm.s32 @!p0 $0x2  }
0x48: {  	_ =	swait.ge @!p0 [sflag:s0], s1  }
0x49: {  	s1 =	ssub.s32 @!p0 $0x0, s1;
	[sflag:s0] =	ssyncset.done @!p0 $0x0  }
0x4a: {  	[sflag:s0] =	ssyncadd.s32 @!p0 s1  }
0x4b: {  	[bflag:$0x3] =	sbarrier.arrive $0xFFFF  }
0x4c: {  	_ =	shalt  }

// kernel: kernel.8.cloned.1.call-start
scs
__scs_entry_jumppad:
0x0: {  	(pc) =	sbr.rel $0x88, $3  }
0x1: {  	(tag) =	ssettag $0x0;
	lr =	simm.s32 $0x1  }
0x2: {  	[smem:$0x3F89] =	sst lr;
	_ =	strace $0xD0000000  }
0x3: {  	_ = 	snop  }
0x4: {  	_ = 	snop  }
0x5: {  	_ = 	snop  }
0x6: {  	_ = 	snop  }
0x7: {  	_ = 	snop  }
__scs_overlays_trampoline_lowered:
0x8: {  	[smem:$0x3F98] =	sst s0  }
0x9: {  	[smem:$0x3F99] =	sst s1  }
0xa: {  	[smem:$0x3F9A] =	sst s2  }
0xb: {  	[smem:$0x3F9B] =	sst s3  }
0xc: {  	[smem:$0x3F9C] =	sst s4  }
0xd: {  	[smem:$0x3F9D] =	sst s5  }
0xe: {  	[smem:$0x3F9E] =	sst s6  }
0xf: {  	[smem:$0x3F9F] =	sst s7  }
0x10: {  	[smem:$0x3FA0] =	sst s8  }
0x11: {  	[smem:$0x3FA1] =	sst s9;
	s0 =	simm.s32 @!p0 $0x0  }
0x12: {  	s1 =	sld [smem:$0x3F87];
	s0 =	simm.s32 @p0 $0x1  }
0x13: {  	[smem:$0x3FA2] =	sst s0;
	s0 =	simm.s32 @!p1 $0x0  }
0x14: {  	s2 =	sld [smem:$0x3F86];
	s0 =	simm.s32 @p1 $0x1  }
0x15: {  	[smem:$0x3FA3] =	sst s0;
	s0 =	simm.s32 @!p2 $0x0  }
0x16: {  	s3 =	sld [smem:$0x3FDB];
	s0 =	simm.s32 @p2 $0x1  }
0x17: {  	s4 =	simm.s32 $0x1BF5;
	[smem:$0x3FA5] =	sst s0  }
0x18: {  	s0 =	sld [smem:$0x3F88];
	_ =	swait.ge [sflag:s4], $0x0  }
0x19: {  	s7 =	sld [smem:$0x3F89]  }
0x1a: {  	s8 =	sadd.s32 $0xFFFFE003, lr  }
0x1b: {  	s9 =	sadd.s32 $0xFFFFFEF7, lr;
	s5 =	simm.s32 $0xFFFFFFFF;
	p2 =	slt.u32 s8, $0xFFFFF086  }
0x1c: {  	p1 =	slt.u32 s9, $0xF7A;
	s5 =	simm.s32 @!p2 $0x0  }
0x1d: {  	s5 =	simm.s32 @p1 $0x1;
	p0 =	seq.s32 s7, s2  }
0x1e: {  	s7 =	smul.u32 @!p0 $0xF7A, s2;
	p2 =	seq.s32 @!p0 s5, $0x0  }
0x1f: {  	s9 =	smul.u32 $0xF7A, s1;
	s8 =	simm.s32 @!p0 $0x1BF5;
	p2 =	por !p2, p0  }
0x20: {  	[sflag:s8] =	ssyncset.s32 @!p0 $0xFFFFF086;
	s6 =	sadd.s32 @!p0 s3, s7;
	s7 =	simm.s32 @!p0 $0x108  }
0x21: {  	s3 =	sadd.s32 s3, s9;
	s6 =	sadd.s32 @!p0 $0x88, s6;
	s7 =	simm.s32 @p2 $0x1082  }
0x22: {  	[simem:s7], [sflag:s8] =	dma.local @!p0 [hbm:s6], $0xF7A  }
0x23: {  	s9 =	sor.u32 $0xD0000000, s2;
	s6 =	simm.s32 $0x108;
	_ =	swait.ge @!p0 [sflag:s8], $0x0  }
0x24: {  	s3 =	sadd.s32 $0x88, s3;
	s6 =	simm.s32 @!p1 $0x1082;
	[sflag:s4] =	ssyncset.s32 $0xFFFFF086  }
0x25: {  	[simem:s6], [sflag:s4] =	dma.local [hbm:s3], $0xF7A  }
0x26: {  	[smem:$0x3F89] =	sst s1;
	(tag) =	ssettag s2;
	_ =	strace s9  }
0x27: {  	s1 =	sld [smem:$0x3F99]  }
0x28: {  	s2 =	sld [smem:$0x3F9A]  }
0x29: {  	s4 =	sld [smem:$0x3F9C]  }
0x2a: {  	p0 =	seq.s32 s5, $0x0;
	s5 =	sld [smem:$0x3F9D]  }
0x2b: {  	s6 =	sld [smem:$0x3F9E]  }
0x2c: {  	s7 =	sld [smem:$0x3F9F]  }
0x2d: {  	s3 =	simm.s32 $0x108;
	s8 =	sld [smem:$0x3FA0]  }
0x2e: {  	s3 =	simm.s32 @!p0 $0x1082;
	s9 =	sld [smem:$0x3FA1]  }
0x2f: {  	lr =	sadd.s32 s0, s3;
	s0 =	sld [smem:$0x3F98]  }
0x30: {  	s3 =	sld [smem:$0x3F9B]  }
0x31: {  	[smem:$0x3FA4] =	sst s10  }
0x32: {  	s10 =	sld [smem:$0x3FA2];
	_ =	sdelay $0x3  }
0x33: {  	p0 =	seq.s32 s10, $0x1;
	s10 =	sld [smem:$0x3FA4];
	_ =	sdelay $0x3  }
0x34: {  	[smem:$0x3FA4] =	sst s10  }
0x35: {  	s10 =	sld [smem:$0x3FA3];
	_ =	sdelay $0x3  }
0x36: {  	p1 =	seq.s32 s10, $0x1;
	s10 =	sld [smem:$0x3FA4];
	_ =	sdelay $0x3  }
0x37: {  	[smem:$0x3FA4] =	sst s10  }
0x38: {  	s10 =	sld [smem:$0x3FA5]  }
0x39: {  	_ = 	snop;
	(pc) =	sbr.ind lr, $3  }
0x3a: {  	_ = 	snop  }
0x3b: {  	_ = 	snop  }
0x3c: {  	p2 =	seq.s32 s10, $0x1;
	s10 =	sld [smem:$0x3FA4]  }
0x3d: {  	_ =	shalt  }
0x3e: {  	_ =	shalt  }
0x3f: {  	_ =	shalt  }
0x40: {  	_ =	shalt  }
0x41: {  	_ =	shalt  }
0x42: {  	_ =	shalt  }
0x43: {  	_ =	shalt  }
0x44: {  	_ =	shalt  }
0x45: {  	_ =	shalt  }
0x46: {  	_ =	shalt  }
0x47: {  	_ =	shalt  }
0x48: {  	_ =	shalt  }
0x49: {  	_ =	shalt  }
0x4a: {  	_ =	shalt  }
0x4b: {  	_ =	shalt  }
0x4c: {  	_ =	shalt  }
0x4d: {  	_ =	shalt  }
0x4e: {  	_ =	shalt  }
0x4f: {  	_ =	shalt  }
0x50: {  	_ =	shalt  }
0x51: {  	_ =	shalt  }
0x52: {  	_ =	shalt  }
0x53: {  	_ =	shalt  }
0x54: {  	_ =	shalt  }
0x55: {  	_ =	shalt  }
0x56: {  	_ =	shalt  }
0x57: {  	_ =	shalt  }
0x58: {  	_ =	shalt  }
0x59: {  	_ =	shalt  }
0x5a: {  	_ =	shalt  }
0x5b: {  	_ =	shalt  }
0x5c: {  	_ =	shalt  }
0x5d: {  	_ =	shalt  }
0x5e: {  	_ =	shalt  }
0x5f: {  	_ =	shalt  }
0x60: {  	_ =	shalt  }
0x61: {  	_ =	shalt  }
0x62: {  	_ =	shalt  }
0x63: {  	_ =	shalt  }
0x64: {  	_ =	shalt  }
0x65: {  	_ =	shalt  }
0x66: {  	_ =	shalt  }
0x67: {  	_ =	shalt  }
0x68: {  	_ =	shalt  }
0x69: {  	_ =	shalt  }
0x6a: {  	_ =	shalt  }
0x6b: {  	_ =	shalt  }
0x6c: {  	_ =	shalt  }
0x6d: {  	_ =	shalt  }
0x6e: {  	_ =	shalt  }
0x6f: {  	_ =	shalt  }
0x70: {  	_ =	shalt  }
0x71: {  	_ =	shalt  }
0x72: {  	_ =	shalt  }
0x73: {  	_ =	shalt  }
0x74: {  	_ =	shalt  }
0x75: {  	_ =	shalt  }
0x76: {  	_ =	shalt  }
0x77: {  	_ =	shalt  }
0x78: {  	_ =	shalt  }
0x79: {  	_ =	shalt  }
0x7a: {  	_ =	shalt  }
0x7b: {  	_ =	shalt  }
0x7c: {  	_ =	shalt  }
0x7d: {  	_ =	shalt  }
0x7e: {  	_ =	shalt  }
0x7f: {  	_ =	shalt  }
0x80: {  	_ =	shalt  }
0x81: {  	_ =	shalt  }
0x82: {  	_ =	shalt  }
0x83: {  	_ =	shalt  }
0x84: {  	_ =	shalt  }
0x85: {  	_ =	shalt  }
0x86: {  	_ =	shalt  }
0x87: {  	_ =	shalt  }
.Lfunc_end0:
.L_simem_size_0:
called_computation_lowered:
.L_overlay_start_0:
0x88: {  	s2 =	sld [smem:$0x3FD9]  }
0x89: {  	s3 =	sld [smem:$0x3FFE];
	_ =	sdelay $0x1  }
0x8a: {  	s1 =	srdreg.scid  }
0x8b: {  	s0 =	sand.u32 $0x1, s1  }
0x8c: {  	s17 =	sshll.u32 s0, $0xA;
	s2 =	sadd.s32 s3, s2  }
0x8d: {  	s2 =	sadd.s32 s2, s17  }
0x8e: {  	[smem:$0x3FB0] =	sst s2  }
0x8f: {  	_ = 	snop  }
0x90: {  	s2 =	sld [smem:$0x3FC9];
	(tm) =	ssettm $0x1  }
0x91: {  	s18 =	sld [smem:$0x3FFB];
	_ =	sdelay $0x3  }
0x92: {  	_ =	strace s18  }
0x93: {  	s3 =	sld [smem:$0x3FFC];
	_ =	sdelay $0x3  }
0x94: {  	_ =	strace s3  }
0x95: {  	s3 =	sld [smem:$0x3FFD];
	_ =	sdelay $0x3  }
0x96: {  	_ =	strace s3  }
0x97: {  	_ =	strace $0x8FFFFFFF  }
0x98: {  	s19 =	sld [smem:$0x3FDB];
	_ =	sdelay $0x1  }
0x99: {  	s4 =	simm.s32 $_scs_section_size  }
0x9a: {  	s5 =	simm.s32 $_size__tile_overlayer_lowered;
	s6 =	simm.s32 $_tile_overlayer_lowered  }
0x9b: {  	s22 =	simm.s32 $0x1BFF;
	s21 =	sshll.u32 s6, $0x1;
	s3 =	sadd.s32 s4, s19  }
0x9c: {  	s7 =	simm.s32 $0x0;
	s20 =	sshll.u32 s5, $0x1;
	s5 =	sadd.s32 s21, s3  }
0x9d: {  	[timem:s7], [sflag:s22] =	dma.local [hbm:s5], s20  }
0x9e: {  	_ =	swait.ge [sflag:s22], s20  }
0x9f: {  	s4 =	ssub.s32 $0x0, s20;
	[sflag:s22] =	ssyncset.done $0x0  }
0xa0: {  	[sflag:s22] =	ssyncadd.s32 s4;
	_ =	sdelay $0x1  }
0xa1: {  	s23 =	simm.s32 $0x1B8B  }
0xa2: {  	_ =	swait.ge [sflag:s23], $0x1  }
0xa3: {  	[sflag:s23] =	ssyncset.done $0x0  }
0xa4: {  	s25 =	simm.s32 $0x1B8E;
	s24 =	sld [smem:$0x3FFE];
	[sflag:s23] =	ssyncadd.s32 $0xFFFFFFFF  }
0xa5: {  	s26 =	simm.s32 $execute0_lowered;
	[smem:$0x3FD2] =	sst s25  }
0xa6: {  	s5 =	sshll.u32 s26, $0x1;
	_ =	strace $0x80000046;
	[dreg:$0x1] =	wrdreg $0xFFFFFFFF  }
0xa7: {  	s28 =	simm.s32 $_size_execute0_lowered;
	s3 =	sadd.s32 s3, s5;
	[dreg:$0x0] =	wrdreg $0x0  }
0xa8: {  	s5 =	sshll.u32 s28, $0x1;
	[dreg:$0x2] =	wrdreg s3  }
0xa9: {  	[dreg:$0x3] =	wrdreg s5  }
0xaa: {  	[dreg:$0x4] =	wrdreg $0xC0  }
0xab: {  	_ =	task [dreg:s7], $0x5FFFF  }
0xac: {  	[dreg:$0x1] =	wrdreg $0xFFFFFFFF  }
0xad: {  	[dreg:$0x0] =	wrdreg $0x60  }
0xae: {  	[dreg:$0x2] =	wrdreg s2  }
0xaf: {  	[dreg:$0x3] =	wrdreg s24  }
0xb0: {  	[dreg:$0x4] =	wrdreg $0xC4000  }
0xb1: {  	[dreg:$0x5] =	wrdreg $0x9  }
0xb2: {  	_ =	task.clear_ibuf [dreg:s7], $0x6FFFF;
	_ =	strace $0x90000046  }
0xb3: {  	s29 =	simm.s32 $0x9;
	_ =	strace $0x80000048  }
0xb4: {  	_ =	swait.ge [sflag:s29], $0x1  }
0xb5: {  	[sflag:s29] =	ssyncadd.s32 $0xFFFFFFFF  }
0xb6: {  	_ =	strace $0x90000048  }
0xb7: {  	_ =	sfence  }
0xb8: {  	s30 =	sld [smem:$0x0];
	_ =	sdelay $0x2  }
0xb9: {  	s31 =	sshll.u32 s1, $0xD;
	s1 =	sshrl.u32 s1, $0x2  }
0xba: {  	s3 =	sand.u32 $0x4000, s31;
	s1 =	sadd.s32 s1, s30  }
0xbb: {  	s0 =	sor.u32 s3, s0;
	s1 =	sshll.u32 s1, $0x11  }
0xbc: {  	s0 =	sor.u32 s1, s0  }
0xbd: {  	s0 =	sadd.s32 $0x8F2B, s0  }
0xbe: {  	[sflag:s0] =	ssyncadd.remote.s32 $0x1  }
0xbf: {  	_ =	sfence.sel $0xFFFF  }
0xc0: {  	[dreg:$0x0] =	wrdreg $0xFFFFFFFF;
	(pc) =	sbr.abs _section_cstart, $3  }
0xc1: {  	[dreg:$0x1] =	wrdreg $0xFFFFFFFF  }
0xc2: {  	_ =	task.clear_ibuf [dreg:s7], $0x2FFFF;
	_ =	strace $0x9FFFFFFF  }
0xc3: {  	(tm) =	ssettm $0x7FFFFFFF  }
tec
execute0_lowered:
.L_overlay_start_1:
0x0: {  	(tag) =	ssettag $0x1  }
0x1: {  	s1 =	rddreg [dreg:$0x0]  }
0x2: {  	s0 =	srdreg.scid;
	s6 =	rddreg [dreg:$0x1]  }
0x3: {  	s3 =	rddreg [dreg:$0x2];
	s14 =	simm.s32 $0x400;
	s15 =	simm.s32 $0x2800  }
0x4: {  	s16 =	simm.s32 $0xE8;
	s5 =	sand.u32 $0x1, s0;
	s0 =	stileid.u32  }
0x5: {  	s17 =	simm.s32 $0x5000;
	s18 =	simm.s32 $0x1;
	s25 =	smul.u32 $0x13C00, s0  }
0x6: {  	s19 =	simm.s32 $0x0;
	s2 =	sshll.u32 s5, $0x4;
	s9 =	smul.u32 $0x13C000, s5  }
0x7: {  	s4 =	sshll.u32 s0, $0x7;
	s28 =	smul.u32 $0x4F000, s0;
	s5 =	ssub.s32 $0x2, s5  }
0x8: {  	s31 =	sshll.u32 s0, $0x6;
	s2 =	sor.u32 s0, s2;
	s8 =	sand.u32 $0x380, s4  }
0x9: {  	s4 =	simm.s32 $0x0;
	s29 =	sshrl.u32 s5, $0x1;
	s2 =	sshrl.u32 s2, $0x3  }
0xa: {  	[smem:$0x7FF] =	sst s4;
	s26 =	sshrl.u32 s25, $0x3;
	s7 =	smul.u32 $0x14000, s2  }
0xb: {  	s30 =	sshrl.u32 s28, $0x2;
	s12 =	ssub.s32 s5, s29;
	s2 =	rddreg [dreg:$0x3]  }
0xc: {  	_ =	strace $0x80000047;
	s7 =	sor.u32 s8, s7;
	s8 =	sadd.s32 s25, s9  }
0xd: {  	s13 =	sadd.s32 s30, s3;
	s7 =	sshrl.u32 s7, $0x3;
	s8 =	sshrl.u32 s8, $0x3  }
0xe: {  	s10 =	sadd.s32 s7, s6;
	s7 =	sadd.s32 s26, s6;
	s11 =	sadd.s32 s8, s6  }
0xf: {  	s6 =	sor.u32 $0x1C02, s31;
	s5 =	sadd.s32 $0x18C00, s7;
	s7 =	sadd.s32 $0x4C00, s10  }
0x10: {  	s8 =	sadd.s32 $0xEC00, s10;
	s9 =	sadd.s32 $0x40400, s11;
	s10 =	smax.u32 s12, $0x1  }
0x11: {  	s11 =	sshrl.u32 s13, $0x3;
	s12 =	simm.s32 $0x2;
	s13 =	simm.s32 $0x80  }
.LBB2_1:
0x12: {  	[spmem:s11], [sflag:s6] =	dma.local [hbm:s5], $0x2780  }
0x13: {  	_ =	swait.ge [sflag:s12], $0x2780  }
0x14: {  	[sflag:s12] =	ssyncset.done $0x0  }
0x15: {  	[sflag:s12] =	ssyncadd.s32 $0xFFFFD880  }
0x16: {  	[tilespmem:s4], [sflag:$0x2] =	stream.strided.gather [hbm4b:s7+s13], $0x2800, s14, s13, $0x38;
	v63 =	vld [tilespmem:$0x0]  }
0x17: {  	_ =	swait.ge [sflag:s12], $0x2800  }
0x18: {  	[sflag:s12] =	ssyncset.done $0x0  }
0x19: {  	[sflag:s12] =	ssyncadd.s32 $0xFFFFD800  }
0x1a: {  	[tilespmem:s15], [sflag:$0x2] =	stream.strided.gather [hbm4b:s8+s13], $0x2800, s14, s13, $0x38;
	v63 =	vld [tilespmem:$0x0]  }
0x1b: {  	_ =	swait.ge [sflag:s12], $0x2800  }
0x1c: {  	[sflag:s12] =	ssyncset.done $0x0  }
0x1d: {  	[sflag:s12] =	ssyncadd.s32 $0xFFFFD800  }
0x1e: {  	s20 =	simm.s32 $0x0;
	[bflag:$0x0] =	sbarrier.arrive $0xFFFF  }
0x1f: {  	[tilespmem:s17], [sflag:$0x1] =	stream.indirect.gather [hbm4b:s1+s16], $0x80, s20, s16, $0xb8;
	v63 =	vld [tilespmem:$0x0]  }
0x20: {  	_ =	swait.ge [sflag:s18], $0x7400  }
0x21: {  	[sflag:s18] =	ssyncset.done $0x0  }
0x22: {  	s31 =	simm.s32 $0x2800;
	[sflag:s18] =	ssyncadd.s32 $0xFFFF8C00  }
0x23: {  	[spmem:s3] =	stream.indirect.scatter.add.f32 [tilespmem:s17], [sflag:$0x2], $0x80, s31, s16, $0xb8;
	v63 =	vld [tilespmem:$0x0]  }
0x24: {  	_ =	swait.ge [sflag:s12], $0x7400  }
0x25: {  	s21 =	simm.s32 $0x740;
	s20 =	simm.s32 $0x3A0;
	[sflag:s12] =	ssyncset.done $0x0  }
.LBB2_2:
0x26: {  	s22 =	sshra.s32 s20, $0x2  }
0x27: {  	[sflag:s12] =	ssyncadd.s32 $0xFFFF8C00;
	s20 =	smov.u32 s21;
	s23 =	sadd.s32 $0x3A0, s21  }
0x28: {  	[tilespmem:s17], [sflag:$0x1] =	stream.indirect.gather [hbm4b:s1+s16], $0x80, s22, s16, $0xb8;
	v63 =	vld [tilespmem:$0x0]  }
0x29: {  	p0 =	sne.s32 s21, $0x9BE0;
	_ =	swait.ge [sflag:s18], $0x7400  }
.Ltmp0:
0x2a: {  	[sflag:s18] =	ssyncset.done $0x0;
	(pc) =	sbr.rel @p0 .LBB2_2-.Ltmp0, $4  }
0x2b: {  	s21 =	sadd.s32 $0x2800, s22;
	[sflag:s18] =	ssyncadd.s32 $0xFFFF8C00  }
0x2c: {  	[spmem:s3] =	stream.indirect.scatter.add.f32 [tilespmem:s17], [sflag:$0x2], $0x80, s21, s16, $0xb8;
	v63 =	vld [tilespmem:$0x0]  }
0x2d: {  	_ =	swait.ge [sflag:s12], $0x7400  }
0x2e: {  	s21 =	smov.u32 s23;
	[sflag:s12] =	ssyncset.done $0x0  }
0x2f: {  	s20 =	sshra.s32 s20, $0x2;
	[sflag:s12] =	ssyncadd.s32 $0xFFFF8C00  }
0x30: {  	[tilespmem:s17], [sflag:$0x1] =	stream.indirect.gather [hbm4b:s1+s16], $0x80, s20, s16, $0xb8;
	v63 =	vld [tilespmem:$0x0]  }
0x31: {  	_ =	swait.ge [sflag:s18], $0x7400  }
0x32: {  	[sflag:s18] =	ssyncset.done $0x0  }
0x33: {  	s20 =	sadd.s32 $0x2800, s20;
	[sflag:s18] =	ssyncadd.s32 $0xFFFF8C00  }
0x34: {  	[spmem:s3] =	stream.indirect.scatter.add.f32 [tilespmem:s17], [sflag:$0x2], $0x80, s20, s16, $0xb8;
	v63 =	vld [tilespmem:$0x0]  }
0x35: {  	_ =	swait.ge [sflag:s12], $0x7400  }
0x36: {  	s19 =	sadd.s32 $0x1, s19;
	[sflag:s12] =	ssyncset.done $0x0  }
0x37: {  	p0 =	sne.s32 s19, s10;
	[sflag:s12] =	ssyncadd.s32 $0xFFFF8C00  }
.Ltmp1:
0x38: {  	[bflag:$0x0] =	sbarrier.arrive $0xFFFF;
	(pc) =	sbr.rel @p0 .LBB2_1-.Ltmp1, $4  }
0x39: {  	[hbm:s9], [sflag:s6] =	dma.local [spmem:s11], $0x2780  }
0x3a: {  	_ =	swait.ge [sflag:s12], $0x2780  }
0x3b: {  	[sflag:s12] =	ssyncset.done $0x0  }
0x3c: {  	[sflag:s12] =	ssyncadd.s32 $0xFFFFD880  }
0x3d: {  	_ =	sfence.sel $0x180000  }
0x3e: {  	[bflag:$0x0] =	sbarrier.arrive $0xFFFF  }
0x3f: {  	p0 =	sne.s32 s0, $0x0;
	_ =	strace $0x90000047  }
0x40: {  	s0 =	sadd.s32 @!p0 $0x100000, s2;
	[bflag:$0x2] =	sbarrier.arrive $0xFFFF  }
0x41: {  	[sflag:s0] =	ssyncadd.tile.s32 @!p0 $0x1;
	_ =	shalt  }
.Lfunc_end2:
_tile_overlayer_lowered:
.L_overlay_start_2:
0x42: {  	(tag) =	ssettag $0x2  }
0x43: {  	s0 =	rddreg [dreg:$0x0];
	s2 =	stileid.u32  }
0x44: {  	s1 =	rddreg [dreg:$0x1];
	p0 =	sne.s32 s2, $0x0  }
0x45: {  	s3 =	rddreg [dreg:$0x2];
	[bflag:$0x3] =	sbarrier.arrive $0xFFFF;
	s2 =	simm.s32 @!p0 $0x1C02  }
0x46: {  	[timem:s3], [sflag:s2] =	dma.local @!p0 [hbm:s0], s1  }
0x47: {  	s0 =	simm.s32 @!p0 $0x2  }
0x48: {  	_ =	swait.ge @!p0 [sflag:s0], s1  }
0x49: {  	s1 =	ssub.s32 @!p0 $0x0, s1;
	[sflag:s0] =	ssyncset.done @!p0 $0x0  }
0x4a: {  	[sflag:s0] =	ssyncadd.s32 @!p0 s1  }
0x4b: {  	[bflag:$0x3] =	sbarrier.arrive $0xFFFF  }
0x4c: {  	_ =	shalt  }

</sc_bundles>
